<compile_context>
chip_gen: v7x
topology: tpu7x:2x2x1
jax: 0.10.2.dev20260603
libtpu: 0.0.44.dev20260713+nightly
codegen_flags: <defaults>
</compile_context>

<pallas_src>
import functools

import jax
import jax.numpy as jnp
from jax import lax
from jax.experimental import pallas as pl
from jax.experimental.pallas import tpu as pltpu
from jax.experimental.pallas import tpu_sc as plsc

NC, NS, LANES = 2, 16, 16
NW = NC * NS
B, L, E = 16384, 100, 64
EC = E // LANES
ROWS_PER_W = B // NW
CHUNK = 32
NSTEPS = ROWS_PER_W // CHUNK
NBUF = 2
LHALF = L // 2


def _lane_sum(x):
    lanes = lax.iota(jnp.int32, LANES)
    dnums = lax.GatherDimensionNumbers(
        offset_dims=(), collapsed_slice_dims=(0,), start_index_map=(0,)
    )
    for sh in (1, 2, 4, 8):
        perm = lax.reshape(lanes ^ sh, (LANES, 1))
        x = x + lax.gather(x, perm, dnums, slice_sizes=(1,),
                           mode=lax.GatherScatterMode.PROMISE_IN_BOUNDS)
    return x


def _rsqrt(v):
    i = lax.bitcast_convert_type(v, jnp.int32)
    i = 0x5F3759DF - lax.shift_right_logical(i, 1)
    y = lax.bitcast_convert_type(i, jnp.float32)
    for _ in range(3):
        y = y * (1.5 - 0.5 * v * y * y)
    return y


_mesh = plsc.VectorSubcoreMesh(
    core_axis_name="c", subcore_axis_name="s", num_cores=NC, num_subcores=NS
)

_SCRATCH = [
    pltpu.VMEM((L, ROWS_PER_W), jnp.int32),
    pltpu.VMEM((NBUF, CHUNK, E), jnp.float32),
    pltpu.VMEM((CHUNK, E), jnp.float32),
    pltpu.VMEM((E,), jnp.float32),
    pltpu.VMEM((E,), jnp.float32),
    pltpu.SemaphoreType.DMA,
    pltpu.SemaphoreType.DMA,
    pltpu.SemaphoreType.DMA,
    pltpu.SemaphoreType.DMA,
    pltpu.SemaphoreType.DMA,
    pltpu.SemaphoreType.DMA,
]


def _embed_body(idx_hbm, table_hbm, gamma_hbm, beta_hbm, out_hbm,
                idx_v, acc_v, out_v, gamma_v, beta_v,
                isem, gsemA0, gsemB0, gsemA1, gsemB1, osem):
    wid = lax.axis_index("s") * NC + lax.axis_index("c")
    base = wid * ROWS_PER_W

    pltpu.sync_copy(gamma_hbm, gamma_v)
    pltpu.sync_copy(beta_hbm, beta_v)
    pltpu.async_copy(idx_hbm.at[:, pl.ds(base, ROWS_PER_W)], idx_v, isem).wait()

    zeros = jnp.zeros((LANES,), jnp.float32)

    def zero_acc(buf):
        def zbody(j, carry):
            for c in range(EC):
                acc_v[buf, j, pl.ds(c * LANES, LANES)] = zeros
            return carry
        lax.fori_loop(0, CHUNK, zbody, 0)

    def fire(t, buf, gsemA, gsemB):
        col0 = t * CHUNK

        def gbody(h, carry):
            pltpu.async_copy(
                table_hbm.at[idx_v.at[2 * h, pl.ds(col0, CHUNK)]],
                acc_v.at[buf], gsemA, add=True)
            pltpu.async_copy(
                table_hbm.at[idx_v.at[2 * h + 1, pl.ds(col0, CHUNK)]],
                acc_v.at[buf], gsemB, add=True)
            return carry
        lax.fori_loop(0, LHALF, gbody, 0)

    def drain(t, buf, gsemA, gsemB):
        col0 = t * CHUNK

        def wbody(h, carry):
            pltpu.make_async_copy(
                table_hbm.at[idx_v.at[2 * h, pl.ds(col0, CHUNK)]],
                acc_v.at[buf], gsemA).wait()
            pltpu.make_async_copy(
                table_hbm.at[idx_v.at[2 * h + 1, pl.ds(col0, CHUNK)]],
                acc_v.at[buf], gsemB).wait()
            return carry
        lax.fori_loop(0, LHALF, wbody, 0)

    def compute(t, buf):
        row0 = base + t * CHUNK

        def cbody(j, carry):
            m = [acc_v[buf, j, pl.ds(c * LANES, LANES)] * (1.0 / L)
                 for c in range(EC)]
            tot = m[0] + m[1] + m[2] + m[3]
            mu = _lane_sum(tot) * (1.0 / E)
            d = [m[c] - mu for c in range(EC)]
            ss = d[0] * d[0] + d[1] * d[1] + d[2] * d[2] + d[3] * d[3]
            var = _lane_sum(ss) * (1.0 / E) + 1e-5
            inv = _rsqrt(var)
            for c in range(EC):
                sl = pl.ds(c * LANES, LANES)
                out_v[j, sl] = d[c] * inv * gamma_v[sl] + beta_v[sl]
            return carry
        lax.fori_loop(0, CHUNK, cbody, 0)
        pltpu.async_copy(out_v, out_hbm.at[pl.ds(row0, CHUNK)], osem).wait()

    zero_acc(0)
    zero_acc(1)
    fire(0, 0, gsemA0, gsemB0)

    def step(t, carry):
        buf = lax.rem(t, NBUF)

        @pl.when(t + 1 < NSTEPS)
        def _():
            @pl.when(lax.rem(t + 1, NBUF) == 0)
            def _():
                fire(t + 1, 0, gsemA0, gsemB0)

            @pl.when(lax.rem(t + 1, NBUF) == 1)
            def _():
                fire(t + 1, 1, gsemA1, gsemB1)

        @pl.when(buf == 0)
        def _():
            drain(t, 0, gsemA0, gsemB0)

        @pl.when(buf == 1)
        def _():
            drain(t, 1, gsemA1, gsemB1)

        compute(t, buf)
        zero_acc(buf)
        return carry

    lax.fori_loop(0, NSTEPS, step, 0)


_embed_kernel = functools.partial(
    pl.kernel,
    out_type=jax.ShapeDtypeStruct((B, E), jnp.float32),
    mesh=_mesh,
    scratch_types=_SCRATCH,
    compiler_params=pltpu.CompilerParams(use_tc_tiling_on_sc=False),
)(_embed_body)


def kernel(input, table, gamma, beta):
    idx_t = input.astype(jnp.int32).T
    return _embed_kernel(idx_t, table, gamma, beta)

# --- scband reference (transcript-rebuilt; emitter-appended) ---
"""Pipeline reference for scband-element-embedder-with-char-ngram-subwords-13039520710861 (READ-ONLY COPY).

The authoritative reference and input builder live on the scoring server;
editing this copy changes nothing except your own understanding.
"""

import jax, jax.numpy as jnp
import numpy as np

NUM_BUCKETS = 100000
EMB_SIZE = 64
BATCH = 16384
MAX_LEN = 100


def setup_inputs(seed: int = 0) -> dict:
    key = jax.random.key(seed)
    k1, k2 = jax.random.split(key, 2)
    inp = jax.random.randint(k1, (BATCH, MAX_LEN), 0, NUM_BUCKETS, dtype=jnp.int32).astype(jnp.int64)
    # nn.Embedding(num_buckets, emb_size, padding_idx=0): default init N(0,1), padding row zeroed
    table = jax.random.normal(k2, (NUM_BUCKETS, EMB_SIZE), dtype=jnp.float32)
    table = table.at[0].set(0.0)
    # nn.LayerNorm(emb_size): weight=1, bias=0
    gamma = jnp.ones((EMB_SIZE,), dtype=jnp.float32)
    beta = jnp.zeros((EMB_SIZE,), dtype=jnp.float32)
    return {"input": inp, "table": table, "gamma": gamma, "beta": beta}


def reference(input, table, gamma, beta):
    # x = self.embed(input)
    x = jnp.take(table, input, axis=0)  # [B, L, E]
    # torch.mean(x, dim=1)
    m = jnp.mean(x, axis=1)  # [B, E]
    # self.norm(...) : LayerNorm over last dim, eps=1e-5
    mu = jnp.mean(m, axis=-1, keepdims=True)
    var = jnp.mean((m - mu) ** 2, axis=-1, keepdims=True)
    y = (m - mu) / jnp.sqrt(var + 1e-5)
    return y * gamma + beta

if __name__ == "__main__":
    import jax
    _d = setup_inputs()
    print(jax.jit(kernel)(*tuple(_d.values())))

</pallas_src>

<mosaic_0001>
#map = affine_map<(d0, d1) -> (0, 0)>
#map1 = affine_map<(d0, d1) -> (0)>
module attributes {stable_mosaic.version = 14 : i64} {
  func.func @_embed_body(%arg0: i32, %arg1: i32, %arg2: memref<100x16384xi32, #tpu.memory_space<hbm>>, %arg3: memref<100000x64xf32, #tpu.memory_space<hbm>>, %arg4: memref<64xf32, #tpu.memory_space<hbm>>, %arg5: memref<64xf32, #tpu.memory_space<hbm>>, %arg6: memref<16384x64xf32, #tpu.memory_space<hbm>>, %arg7: memref<100x512xi32, #tpu.memory_space<vmem>>, %arg8: memref<2x32x64xf32, #tpu.memory_space<vmem>>, %arg9: memref<32x64xf32, #tpu.memory_space<vmem>>, %arg10: memref<64xf32, #tpu.memory_space<vmem>>, %arg11: memref<64xf32, #tpu.memory_space<vmem>>, %arg12: memref<!tpu.dma_semaphore, #tpu.memory_space<semaphore_mem>>, %arg13: memref<!tpu.dma_semaphore, #tpu.memory_space<semaphore_mem>>, %arg14: memref<!tpu.dma_semaphore, #tpu.memory_space<semaphore_mem>>, %arg15: memref<!tpu.dma_semaphore, #tpu.memory_space<semaphore_mem>>, %arg16: memref<!tpu.dma_semaphore, #tpu.memory_space<semaphore_mem>>, %arg17: memref<!tpu.dma_semaphore, #tpu.memory_space<semaphore_mem>>) attributes {dimension_semantics = [#tpu.dimension_semantics<core_parallel>, #tpu.dimension_semantics<subcore_parallel>], iteration_bounds = array<i64: 2, 16>, scalar_prefetch = 0 : i64, scratch_operands = 11 : i64, tpu.core_type = #tpu.core_type<sc_vector_subcore>, window_params = [{transform_indices = #map}, {transform_indices = #map}, {transform_indices = #map1}, {transform_indices = #map1}, {transform_indices = #map}]} {
    %mul3A = arith.constant 2 : i32
    %mul3A_0 = arith.muli %arg1, %mul3A : i32
    %add3A = arith.addi %mul3A_0, %arg0 : i32
    %mul3A_1 = arith.constant 512 : i32
    %mul3A_2 = arith.muli %add3A, %mul3A_1 : i32
    "tpu.region"() ({
      %run_scoped3A = tpu.sem_alloc : memref<!tpu.dma_semaphore, #tpu.memory_space<semaphore_mem>>
      tpu.enqueue_dma source(%arg4 : memref<64xf32, #tpu.memory_space<hbm>>) target(%arg10 : memref<64xf32, #tpu.memory_space<vmem>>) target_semaphore(%run_scoped3A : memref<!tpu.dma_semaphore, #tpu.memory_space<semaphore_mem>>)
      tpu.wait_dma2 semaphore(%run_scoped3A : memref<!tpu.dma_semaphore, #tpu.memory_space<semaphore_mem>>) src(%arg4 : memref<64xf32, #tpu.memory_space<hbm>>) dst(%arg10 : memref<64xf32, #tpu.memory_space<vmem>>)
      tpu.yield
    }) : () -> ()
    "tpu.region"() ({
      %run_scoped3A = tpu.sem_alloc : memref<!tpu.dma_semaphore, #tpu.memory_space<semaphore_mem>>
      tpu.enqueue_dma source(%arg5 : memref<64xf32, #tpu.memory_space<hbm>>) target(%arg11 : memref<64xf32, #tpu.memory_space<vmem>>) target_semaphore(%run_scoped3A : memref<!tpu.dma_semaphore, #tpu.memory_space<semaphore_mem>>)
      tpu.wait_dma2 semaphore(%run_scoped3A : memref<!tpu.dma_semaphore, #tpu.memory_space<semaphore_mem>>) src(%arg5 : memref<64xf32, #tpu.memory_space<hbm>>) dst(%arg11 : memref<64xf32, #tpu.memory_space<vmem>>)
      tpu.yield
    }) : () -> ()
    %dma_start3A = arith.constant 0 : i32
    %dma_start3A_3 = tpu.memref_slice %arg2[%dma_start3A, %mul3A_2] : memref<100x16384xi32, #tpu.memory_space<hbm>> -> memref<100x512xi32, #tpu.memory_space<hbm>>
    %dma_start3A_4 = arith.constant 0 : i32
    %dma_start3A_5 = tpu.memref_slice %arg2[%dma_start3A_4, %mul3A_2] : memref<100x16384xi32, #tpu.memory_space<hbm>> -> memref<100x512xi32, #tpu.memory_space<hbm>>
    tpu.enqueue_dma source(%dma_start3A_5 : memref<100x512xi32, #tpu.memory_space<hbm>>) target(%arg7 : memref<100x512xi32, #tpu.memory_space<vmem>>) target_semaphore(%arg12 : memref<!tpu.dma_semaphore, #tpu.memory_space<semaphore_mem>>)
    %dma_wait3A = arith.constant 0 : i32
    %dma_wait3A_6 = tpu.memref_slice %arg2[%dma_wait3A, %mul3A_2] : memref<100x16384xi32, #tpu.memory_space<hbm>> -> memref<100x512xi32, #tpu.memory_space<hbm>>
    %dma_wait3A_7 = arith.constant 0 : i32
    %dma_wait3A_8 = tpu.memref_slice %arg2[%dma_wait3A_7, %mul3A_2] : memref<100x16384xi32, #tpu.memory_space<hbm>> -> memref<100x512xi32, #tpu.memory_space<hbm>>
    tpu.wait_dma2 semaphore(%arg12 : memref<!tpu.dma_semaphore, #tpu.memory_space<semaphore_mem>>) src(%dma_wait3A_8 : memref<100x512xi32, #tpu.memory_space<hbm>>) dst(%arg7 : memref<100x512xi32, #tpu.memory_space<vmem>>)
    %broadcast_in_dim3A = arith.constant 0.000000e+00 : f32
    %broadcast_in_dim3A_9 = vector.broadcast %broadcast_in_dim3A : f32 to vector<16xf32>
    %scan3A = arith.constant 0 : i32
    %scan3A_10 = arith.constant 0 : i32
    %scan3A_11 = arith.constant 32 : i32
    %scan3A_12 = arith.addi %scan3A_10, %scan3A_11 : i32
    %scan3A_13 = arith.constant 1 : i32
    scf.for %scan3A_33 = %scan3A_10 to %scan3A_12 step %scan3A_13  : i32 {
      %swap3A = arith.constant 0 : i32
      %swap3A_34 = arith.index_cast %swap3A : i32 to index
      %swap3A_35 = arith.index_cast %scan3A_33 : i32 to index
      %swap3A_36 = arith.constant 0 : index
      %swap3A_37 = tpu.vector_load %arg8[%swap3A_34, %swap3A_35, %swap3A_36] {strides = array<i32>} : memref<2x32x64xf32, #tpu.memory_space<vmem>>, vector<1x1x16xf32>,
      %swap3A_38 = vector.shape_cast %swap3A_37 : vector<1x1x16xf32> to vector<16xf32>
      %swap3A_39 = vector.shape_cast %broadcast_in_dim3A_9 : vector<16xf32> to vector<1x1x16xf32>
      tpu.vector_store %arg8[%swap3A_34, %swap3A_35, %swap3A_36], %swap3A_39 {strides = array<i32>} : memref<2x32x64xf32, #tpu.memory_space<vmem>>, vector<1x1x16xf32>,
      %swap3A_40 = arith.constant 0 : i32
      %swap3A_41 = arith.index_cast %swap3A_40 : i32 to index
      %swap3A_42 = arith.index_cast %scan3A_33 : i32 to index
      %swap3A_43 = arith.constant 16 : index
      %swap3A_44 = tpu.vector_load %arg8[%swap3A_41, %swap3A_42, %swap3A_43] {strides = array<i32>} : memref<2x32x64xf32, #tpu.memory_space<vmem>>, vector<1x1x16xf32>,
      %swap3A_45 = vector.shape_cast %swap3A_44 : vector<1x1x16xf32> to vector<16xf32>
      %swap3A_46 = vector.shape_cast %broadcast_in_dim3A_9 : vector<16xf32> to vector<1x1x16xf32>
      tpu.vector_store %arg8[%swap3A_41, %swap3A_42, %swap3A_43], %swap3A_46 {strides = array<i32>} : memref<2x32x64xf32, #tpu.memory_space<vmem>>, vector<1x1x16xf32>,
      %swap3A_47 = arith.constant 0 : i32
      %swap3A_48 = arith.index_cast %swap3A_47 : i32 to index
      %swap3A_49 = arith.index_cast %scan3A_33 : i32 to index
      %swap3A_50 = arith.constant 32 : index
      %swap3A_51 = tpu.vector_load %arg8[%swap3A_48, %swap3A_49, %swap3A_50] {strides = array<i32>} : memref<2x32x64xf32, #tpu.memory_space<vmem>>, vector<1x1x16xf32>,
      %swap3A_52 = vector.shape_cast %swap3A_51 : vector<1x1x16xf32> to vector<16xf32>
      %swap3A_53 = vector.shape_cast %broadcast_in_dim3A_9 : vector<16xf32> to vector<1x1x16xf32>
      tpu.vector_store %arg8[%swap3A_48, %swap3A_49, %swap3A_50], %swap3A_53 {strides = array<i32>} : memref<2x32x64xf32, #tpu.memory_space<vmem>>, vector<1x1x16xf32>,
      %swap3A_54 = arith.constant 0 : i32
      %swap3A_55 = arith.index_cast %swap3A_54 : i32 to index
      %swap3A_56 = arith.index_cast %scan3A_33 : i32 to index
      %swap3A_57 = arith.constant 48 : index
      %swap3A_58 = tpu.vector_load %arg8[%swap3A_55, %swap3A_56, %swap3A_57] {strides = array<i32>} : memref<2x32x64xf32, #tpu.memory_space<vmem>>, vector<1x1x16xf32>,
      %swap3A_59 = vector.shape_cast %swap3A_58 : vector<1x1x16xf32> to vector<16xf32>
      %swap3A_60 = vector.shape_cast %broadcast_in_dim3A_9 : vector<16xf32> to vector<1x1x16xf32>
      tpu.vector_store %arg8[%swap3A_55, %swap3A_56, %swap3A_57], %swap3A_60 {strides = array<i32>} : memref<2x32x64xf32, #tpu.memory_space<vmem>>, vector<1x1x16xf32>,
    }
    %scan3A_14 = arith.constant 32 : i32
    %scan3A_15 = arith.constant 0 : i32
    %scan3A_16 = arith.constant 0 : i32
    %scan3A_17 = arith.constant 32 : i32
    %scan3A_18 = arith.addi %scan3A_16, %scan3A_17 : i32
    %scan3A_19 = arith.constant 1 : i32
    scf.for %scan3A_33 = %scan3A_16 to %scan3A_18 step %scan3A_19  : i32 {
      %swap3A = arith.constant 1 : i32
      %swap3A_34 = arith.index_cast %swap3A : i32 to index
      %swap3A_35 = arith.index_cast %scan3A_33 : i32 to index
      %swap3A_36 = arith.constant 0 : index
      %swap3A_37 = tpu.vector_load %arg8[%swap3A_34, %swap3A_35, %swap3A_36] {strides = array<i32>} : memref<2x32x64xf32, #tpu.memory_space<vmem>>, vector<1x1x16xf32>,
      %swap3A_38 = vector.shape_cast %swap3A_37 : vector<1x1x16xf32> to vector<16xf32>
      %swap3A_39 = vector.shape_cast %broadcast_in_dim3A_9 : vector<16xf32> to vector<1x1x16xf32>
      tpu.vector_store %arg8[%swap3A_34, %swap3A_35, %swap3A_36], %swap3A_39 {strides = array<i32>} : memref<2x32x64xf32, #tpu.memory_space<vmem>>, vector<1x1x16xf32>,
      %swap3A_40 = arith.constant 1 : i32
      %swap3A_41 = arith.index_cast %swap3A_40 : i32 to index
      %swap3A_42 = arith.index_cast %scan3A_33 : i32 to index
      %swap3A_43 = arith.constant 16 : index
      %swap3A_44 = tpu.vector_load %arg8[%swap3A_41, %swap3A_42, %swap3A_43] {strides = array<i32>} : memref<2x32x64xf32, #tpu.memory_space<vmem>>, vector<1x1x16xf32>,
      %swap3A_45 = vector.shape_cast %swap3A_44 : vector<1x1x16xf32> to vector<16xf32>
      %swap3A_46 = vector.shape_cast %broadcast_in_dim3A_9 : vector<16xf32> to vector<1x1x16xf32>
      tpu.vector_store %arg8[%swap3A_41, %swap3A_42, %swap3A_43], %swap3A_46 {strides = array<i32>} : memref<2x32x64xf32, #tpu.memory_space<vmem>>, vector<1x1x16xf32>,
      %swap3A_47 = arith.constant 1 : i32
      %swap3A_48 = arith.index_cast %swap3A_47 : i32 to index
      %swap3A_49 = arith.index_cast %scan3A_33 : i32 to index
      %swap3A_50 = arith.constant 32 : index
      %swap3A_51 = tpu.vector_load %arg8[%swap3A_48, %swap3A_49, %swap3A_50] {strides = array<i32>} : memref<2x32x64xf32, #tpu.memory_space<vmem>>, vector<1x1x16xf32>,
      %swap3A_52 = vector.shape_cast %swap3A_51 : vector<1x1x16xf32> to vector<16xf32>
      %swap3A_53 = vector.shape_cast %broadcast_in_dim3A_9 : vector<16xf32> to vector<1x1x16xf32>
      tpu.vector_store %arg8[%swap3A_48, %swap3A_49, %swap3A_50], %swap3A_53 {strides = array<i32>} : memref<2x32x64xf32, #tpu.memory_space<vmem>>, vector<1x1x16xf32>,
      %swap3A_54 = arith.constant 1 : i32
      %swap3A_55 = arith.index_cast %swap3A_54 : i32 to index
      %swap3A_56 = arith.index_cast %scan3A_33 : i32 to index
      %swap3A_57 = arith.constant 48 : index
      %swap3A_58 = tpu.vector_load %arg8[%swap3A_55, %swap3A_56, %swap3A_57] {strides = array<i32>} : memref<2x32x64xf32, #tpu.memory_space<vmem>>, vector<1x1x16xf32>,
      %swap3A_59 = vector.shape_cast %swap3A_58 : vector<1x1x16xf32> to vector<16xf32>
      %swap3A_60 = vector.shape_cast %broadcast_in_dim3A_9 : vector<16xf32> to vector<1x1x16xf32>
      tpu.vector_store %arg8[%swap3A_55, %swap3A_56, %swap3A_57], %swap3A_60 {strides = array<i32>} : memref<2x32x64xf32, #tpu.memory_space<vmem>>, vector<1x1x16xf32>,
    }
    %scan3A_20 = arith.constant 32 : i32
    %scan3A_21 = arith.constant 0 : i32
    %scan3A_22 = arith.constant 0 : i32
    %scan3A_23 = arith.constant 50 : i32
    %scan3A_24 = arith.addi %scan3A_22, %scan3A_23 : i32
    %scan3A_25 = arith.constant 1 : i32
    scf.for %scan3A_33 = %scan3A_22 to %scan3A_24 step %scan3A_25  : i32 {
      %mul3A_34 = arith.constant 2 : i32
      %mul3A_35 = arith.muli %mul3A_34, %scan3A_33 : i32
      %dma_start3A_36 = arith.constant 0 : i32
      %dma_start3A_37 = arith.constant 0 : i32
      %dma_start3A_38 = arith.constant 0 : i32
      %dma_start3A_39 = tpu.memref_slice %arg8[%dma_start3A_36, %dma_start3A_37, %dma_start3A_38] : memref<2x32x64xf32, #tpu.memory_space<vmem>> -> memref<1x32x64xf32, #tpu.memory_space<vmem>>
      %dma_start3A_40 = tpu.memref_squeeze %dma_start3A_39 : memref<1x32x64xf32, #tpu.memory_space<vmem>> -> memref<32x64xf32, #tpu.memory_space<vmem>>
      %dma_start3A_41 = arith.constant 0 : i32
      %dma_start3A_42 = tpu.memref_slice %arg7[%mul3A_35, %dma_start3A_41] : memref<100x512xi32, #tpu.memory_space<vmem>> -> memref<1x32xi32, #tpu.memory_space<vmem>>
      %dma_start3A_43 = tpu.memref_squeeze %dma_start3A_42 : memref<1x32xi32, #tpu.memory_space<vmem>> -> memref<32xi32, #tpu.memory_space<vmem>>
      %dma_start3A_44 = arith.constant 0 : i32
      %dma_start3A_45 = arith.constant 0 : i32
      %dma_start3A_46 = tpu.memref_slice %arg3[%dma_start3A_44, %dma_start3A_45] : memref<100000x64xf32, #tpu.memory_space<hbm>> -> memref<100000x64xf32, #tpu.memory_space<hbm>>
      tpu.enqueue_indirect_dma source(%dma_start3A_46 : memref<100000x64xf32, #tpu.memory_space<hbm>>) target(%dma_start3A_40 : memref<32x64xf32, #tpu.memory_space<vmem>>) offsets(%dma_start3A_43 : memref<32xi32, #tpu.memory_space<vmem>>) semaphore(%arg13 : memref<!tpu.dma_semaphore, #tpu.memory_space<semaphore_mem>>) {add = true}
      %mul3A_47 = arith.constant 2 : i32
      %mul3A_48 = arith.muli %mul3A_47, %scan3A_33 : i32
      %add3A_49 = arith.constant 1 : i32
      %add3A_50 = arith.addi %mul3A_48, %add3A_49 : i32
      %dma_start3A_51 = arith.constant 0 : i32
      %dma_start3A_52 = arith.constant 0 : i32
      %dma_start3A_53 = arith.constant 0 : i32
      %dma_start3A_54 = tpu.memref_slice %arg8[%dma_start3A_51, %dma_start3A_52, %dma_start3A_53] : memref<2x32x64xf32, #tpu.memory_space<vmem>> -> memref<1x32x64xf32, #tpu.memory_space<vmem>>
      %dma_start3A_55 = tpu.memref_squeeze %dma_start3A_54 : memref<1x32x64xf32, #tpu.memory_space<vmem>> -> memref<32x64xf32, #tpu.memory_space<vmem>>
      %dma_start3A_56 = arith.constant 0 : i32
      %dma_start3A_57 = tpu.memref_slice %arg7[%add3A_50, %dma_start3A_56] : memref<100x512xi32, #tpu.memory_space<vmem>> -> memref<1x32xi32, #tpu.memory_space<vmem>>
      %dma_start3A_58 = tpu.memref_squeeze %dma_start3A_57 : memref<1x32xi32, #tpu.memory_space<vmem>> -> memref<32xi32, #tpu.memory_space<vmem>>
      %dma_start3A_59 = arith.constant 0 : i32
      %dma_start3A_60 = arith.constant 0 : i32
      %dma_start3A_61 = tpu.memref_slice %arg3[%dma_start3A_59, %dma_start3A_60] : memref<100000x64xf32, #tpu.memory_space<hbm>> -> memref<100000x64xf32, #tpu.memory_space<hbm>>
      tpu.enqueue_indirect_dma source(%dma_start3A_61 : memref<100000x64xf32, #tpu.memory_space<hbm>>) target(%dma_start3A_55 : memref<32x64xf32, #tpu.memory_space<vmem>>) offsets(%dma_start3A_58 : memref<32xi32, #tpu.memory_space<vmem>>) semaphore(%arg14 : memref<!tpu.dma_semaphore, #tpu.memory_space<semaphore_mem>>) {add = true}
    }
    %scan3A_26 = arith.constant 50 : i32
    %scan3A_27 = arith.constant 0 : i32
    %scan3A_28 = arith.constant 0 : i32
    %scan3A_29 = arith.constant 16 : i32
    %scan3A_30 = arith.addi %scan3A_28, %scan3A_29 : i32
    %scan3A_31 = arith.constant 1 : i32
    scf.for %scan3A_33 = %scan3A_28 to %scan3A_30 step %scan3A_31  : i32 {
      %rem3A = arith.constant 2 : i32
      %rem3A_34 = arith.remsi %scan3A_33, %rem3A : i32
      %add3A_35 = arith.constant 1 : i32
      %add3A_36 = arith.addi %scan3A_33, %add3A_35 : i32
      %lt3A = arith.constant 16 : i32
      %lt3A_37 = arith.cmpi slt, %add3A_36, %lt3A : i32
      %convert_element_type3A = arith.extui %lt3A_37 : i1 to i32
      %cond3A = arith.constant 0 : i32
      %cond3A_38 = arith.cmpi ne, %convert_element_type3A, %cond3A : i32
      scf.if %cond3A_38 {
        %add3A_71 = arith.constant 1 : i32
        %add3A_72 = arith.addi %scan3A_33, %add3A_71 : i32
        %rem3A_73 = arith.constant 2 : i32
        %rem3A_74 = arith.remsi %add3A_72, %rem3A_73 : i32
        %eq3A_75 = arith.constant 0 : i32
        %eq3A_76 = arith.cmpi eq, %rem3A_74, %eq3A_75 : i32
        %convert_element_type3A_77 = arith.extui %eq3A_76 : i1 to i32
        %cond3A_78 = arith.constant 0 : i32
        %cond3A_79 = arith.cmpi ne, %convert_element_type3A_77, %cond3A_78 : i32
        scf.if %cond3A_79 {
          %add3A_89 = arith.constant 1 : i32
          %add3A_90 = arith.addi %scan3A_33, %add3A_89 : i32
          %mul3A_91 = arith.constant 32 : i32
          %mul3A_92 = arith.muli %add3A_90, %mul3A_91 : i32
          %scan3A_93 = arith.constant 0 : i32
          %scan3A_94 = arith.constant 0 : i32
          %scan3A_95 = arith.constant 50 : i32
          %scan3A_96 = arith.addi %scan3A_94, %scan3A_95 : i32
          %scan3A_97 = arith.constant 1 : i32
          scf.for %scan3A_99 = %scan3A_94 to %scan3A_96 step %scan3A_97  : i32 {
            %mul3A_100 = arith.constant 2 : i32
            %mul3A_101 = arith.muli %mul3A_100, %scan3A_99 : i32
            %dma_start3A_102 = arith.constant 0 : i32
            %dma_start3A_103 = arith.constant 0 : i32
            %dma_start3A_104 = arith.constant 0 : i32
            %dma_start3A_105 = tpu.memref_slice %arg8[%dma_start3A_102, %dma_start3A_103, %dma_start3A_104] : memref<2x32x64xf32, #tpu.memory_space<vmem>> -> memref<1x32x64xf32, #tpu.memory_space<vmem>>
            %dma_start3A_106 = tpu.memref_squeeze %dma_start3A_105 : memref<1x32x64xf32, #tpu.memory_space<vmem>> -> memref<32x64xf32, #tpu.memory_space<vmem>>
            %dma_start3A_107 = tpu.memref_slice %arg7[%mul3A_101, %mul3A_92] : memref<100x512xi32, #tpu.memory_space<vmem>> -> memref<1x32xi32, #tpu.memory_space<vmem>>
            %dma_start3A_108 = tpu.memref_squeeze %dma_start3A_107 : memref<1x32xi32, #tpu.memory_space<vmem>> -> memref<32xi32, #tpu.memory_space<vmem>>
            %dma_start3A_109 = arith.constant 0 : i32
            %dma_start3A_110 = arith.constant 0 : i32
            %dma_start3A_111 = tpu.memref_slice %arg3[%dma_start3A_109, %dma_start3A_110] : memref<100000x64xf32, #tpu.memory_space<hbm>> -> memref<100000x64xf32, #tpu.memory_space<hbm>>
            tpu.enqueue_indirect_dma source(%dma_start3A_111 : memref<100000x64xf32, #tpu.memory_space<hbm>>) target(%dma_start3A_106 : memref<32x64xf32, #tpu.memory_space<vmem>>) offsets(%dma_start3A_108 : memref<32xi32, #tpu.memory_space<vmem>>) semaphore(%arg13 : memref<!tpu.dma_semaphore, #tpu.memory_space<semaphore_mem>>) {add = true}
            %mul3A_112 = arith.constant 2 : i32
            %mul3A_113 = arith.muli %mul3A_112, %scan3A_99 : i32
            %add3A_114 = arith.constant 1 : i32
            %add3A_115 = arith.addi %mul3A_113, %add3A_114 : i32
            %dma_start3A_116 = arith.constant 0 : i32
            %dma_start3A_117 = arith.constant 0 : i32
            %dma_start3A_118 = arith.constant 0 : i32
            %dma_start3A_119 = tpu.memref_slice %arg8[%dma_start3A_116, %dma_start3A_117, %dma_start3A_118] : memref<2x32x64xf32, #tpu.memory_space<vmem>> -> memref<1x32x64xf32, #tpu.memory_space<vmem>>
            %dma_start3A_120 = tpu.memref_squeeze %dma_start3A_119 : memref<1x32x64xf32, #tpu.memory_space<vmem>> -> memref<32x64xf32, #tpu.memory_space<vmem>>
            %dma_start3A_121 = tpu.memref_slice %arg7[%add3A_115, %mul3A_92] : memref<100x512xi32, #tpu.memory_space<vmem>> -> memref<1x32xi32, #tpu.memory_space<vmem>>
            %dma_start3A_122 = tpu.memref_squeeze %dma_start3A_121 : memref<1x32xi32, #tpu.memory_space<vmem>> -> memref<32xi32, #tpu.memory_space<vmem>>
            %dma_start3A_123 = arith.constant 0 : i32
            %dma_start3A_124 = arith.constant 0 : i32
            %dma_start3A_125 = tpu.memref_slice %arg3[%dma_start3A_123, %dma_start3A_124] : memref<100000x64xf32, #tpu.memory_space<hbm>> -> memref<100000x64xf32, #tpu.memory_space<hbm>>
            tpu.enqueue_indirect_dma source(%dma_start3A_125 : memref<100000x64xf32, #tpu.memory_space<hbm>>) target(%dma_start3A_120 : memref<32x64xf32, #tpu.memory_space<vmem>>) offsets(%dma_start3A_122 : memref<32xi32, #tpu.memory_space<vmem>>) semaphore(%arg14 : memref<!tpu.dma_semaphore, #tpu.memory_space<semaphore_mem>>) {add = true}
          }
          %scan3A_98 = arith.constant 50 : i32
        } else {
        }
        %add3A_80 = arith.constant 1 : i32
        %add3A_81 = arith.addi %scan3A_33, %add3A_80 : i32
        %rem3A_82 = arith.constant 2 : i32
        %rem3A_83 = arith.remsi %add3A_81, %rem3A_82 : i32
        %eq3A_84 = arith.constant 1 : i32
        %eq3A_85 = arith.cmpi eq, %rem3A_83, %eq3A_84 : i32
        %convert_element_type3A_86 = arith.extui %eq3A_85 : i1 to i32
        %cond3A_87 = arith.constant 0 : i32
        %cond3A_88 = arith.cmpi ne, %convert_element_type3A_86, %cond3A_87 : i32
        scf.if %cond3A_88 {
          %add3A_89 = arith.constant 1 : i32
          %add3A_90 = arith.addi %scan3A_33, %add3A_89 : i32
          %mul3A_91 = arith.constant 32 : i32
          %mul3A_92 = arith.muli %add3A_90, %mul3A_91 : i32
          %scan3A_93 = arith.constant 0 : i32
          %scan3A_94 = arith.constant 0 : i32
          %scan3A_95 = arith.constant 50 : i32
          %scan3A_96 = arith.addi %scan3A_94, %scan3A_95 : i32
          %scan3A_97 = arith.constant 1 : i32
          scf.for %scan3A_99 = %scan3A_94 to %scan3A_96 step %scan3A_97  : i32 {
            %mul3A_100 = arith.constant 2 : i32
            %mul3A_101 = arith.muli %mul3A_100, %scan3A_99 : i32
            %dma_start3A_102 = arith.constant 1 : i32
            %dma_start3A_103 = arith.constant 0 : i32
            %dma_start3A_104 = arith.constant 0 : i32
            %dma_start3A_105 = tpu.memref_slice %arg8[%dma_start3A_102, %dma_start3A_103, %dma_start3A_104] : memref<2x32x64xf32, #tpu.memory_space<vmem>> -> memref<1x32x64xf32, #tpu.memory_space<vmem>>
            %dma_start3A_106 = tpu.memref_squeeze %dma_start3A_105 : memref<1x32x64xf32, #tpu.memory_space<vmem>> -> memref<32x64xf32, #tpu.memory_space<vmem>>
            %dma_start3A_107 = tpu.memref_slice %arg7[%mul3A_101, %mul3A_92] : memref<100x512xi32, #tpu.memory_space<vmem>> -> memref<1x32xi32, #tpu.memory_space<vmem>>
            %dma_start3A_108 = tpu.memref_squeeze %dma_start3A_107 : memref<1x32xi32, #tpu.memory_space<vmem>> -> memref<32xi32, #tpu.memory_space<vmem>>
            %dma_start3A_109 = arith.constant 0 : i32
            %dma_start3A_110 = arith.constant 0 : i32
            %dma_start3A_111 = tpu.memref_slice %arg3[%dma_start3A_109, %dma_start3A_110] : memref<100000x64xf32, #tpu.memory_space<hbm>> -> memref<100000x64xf32, #tpu.memory_space<hbm>>
            tpu.enqueue_indirect_dma source(%dma_start3A_111 : memref<100000x64xf32, #tpu.memory_space<hbm>>) target(%dma_start3A_106 : memref<32x64xf32, #tpu.memory_space<vmem>>) offsets(%dma_start3A_108 : memref<32xi32, #tpu.memory_space<vmem>>) semaphore(%arg15 : memref<!tpu.dma_semaphore, #tpu.memory_space<semaphore_mem>>) {add = true}
            %mul3A_112 = arith.constant 2 : i32
            %mul3A_113 = arith.muli %mul3A_112, %scan3A_99 : i32
            %add3A_114 = arith.constant 1 : i32
            %add3A_115 = arith.addi %mul3A_113, %add3A_114 : i32
            %dma_start3A_116 = arith.constant 1 : i32
            %dma_start3A_117 = arith.constant 0 : i32
            %dma_start3A_118 = arith.constant 0 : i32
            %dma_start3A_119 = tpu.memref_slice %arg8[%dma_start3A_116, %dma_start3A_117, %dma_start3A_118] : memref<2x32x64xf32, #tpu.memory_space<vmem>> -> memref<1x32x64xf32, #tpu.memory_space<vmem>>
            %dma_start3A_120 = tpu.memref_squeeze %dma_start3A_119 : memref<1x32x64xf32, #tpu.memory_space<vmem>> -> memref<32x64xf32, #tpu.memory_space<vmem>>
            %dma_start3A_121 = tpu.memref_slice %arg7[%add3A_115, %mul3A_92] : memref<100x512xi32, #tpu.memory_space<vmem>> -> memref<1x32xi32, #tpu.memory_space<vmem>>
            %dma_start3A_122 = tpu.memref_squeeze %dma_start3A_121 : memref<1x32xi32, #tpu.memory_space<vmem>> -> memref<32xi32, #tpu.memory_space<vmem>>
            %dma_start3A_123 = arith.constant 0 : i32
            %dma_start3A_124 = arith.constant 0 : i32
            %dma_start3A_125 = tpu.memref_slice %arg3[%dma_start3A_123, %dma_start3A_124] : memref<100000x64xf32, #tpu.memory_space<hbm>> -> memref<100000x64xf32, #tpu.memory_space<hbm>>
            tpu.enqueue_indirect_dma source(%dma_start3A_125 : memref<100000x64xf32, #tpu.memory_space<hbm>>) target(%dma_start3A_120 : memref<32x64xf32, #tpu.memory_space<vmem>>) offsets(%dma_start3A_122 : memref<32xi32, #tpu.memory_space<vmem>>) semaphore(%arg16 : memref<!tpu.dma_semaphore, #tpu.memory_space<semaphore_mem>>) {add = true}
          }
          %scan3A_98 = arith.constant 50 : i32
        } else {
        }
      } else {
      }
      %eq3A = arith.constant 0 : i32
      %eq3A_39 = arith.cmpi eq, %rem3A_34, %eq3A : i32
      %convert_element_type3A_40 = arith.extui %eq3A_39 : i1 to i32
      %cond3A_41 = arith.constant 0 : i32
      %cond3A_42 = arith.cmpi ne, %convert_element_type3A_40, %cond3A_41 : i32
      scf.if %cond3A_42 {
        %mul3A_71 = arith.constant 32 : i32
        %mul3A_72 = arith.muli %scan3A_33, %mul3A_71 : i32
        %scan3A_73 = arith.constant 0 : i32
        %scan3A_74 = arith.constant 0 : i32
        %scan3A_75 = arith.constant 50 : i32
        %scan3A_76 = arith.addi %scan3A_74, %scan3A_75 : i32
        %scan3A_77 = arith.constant 1 : i32
        scf.for %scan3A_79 = %scan3A_74 to %scan3A_76 step %scan3A_77  : i32 {
          %mul3A_80 = arith.constant 2 : i32
          %mul3A_81 = arith.muli %mul3A_80, %scan3A_79 : i32
          %dma_wait3A_82 = arith.constant 0 : i32
          %dma_wait3A_83 = arith.constant 0 : i32
          %dma_wait3A_84 = arith.constant 0 : i32
          %dma_wait3A_85 = tpu.memref_slice %arg8[%dma_wait3A_82, %dma_wait3A_83, %dma_wait3A_84] : memref<2x32x64xf32, #tpu.memory_space<vmem>> -> memref<1x32x64xf32, #tpu.memory_space<vmem>>
          %dma_wait3A_86 = tpu.memref_squeeze %dma_wait3A_85 : memref<1x32x64xf32, #tpu.memory_space<vmem>> -> memref<32x64xf32, #tpu.memory_space<vmem>>
          %dma_wait3A_87 = tpu.memref_slice %arg7[%mul3A_81, %mul3A_72] : memref<100x512xi32, #tpu.memory_space<vmem>> -> memref<1x32xi32, #tpu.memory_space<vmem>>
          %dma_wait3A_88 = tpu.memref_squeeze %dma_wait3A_87 : memref<1x32xi32, #tpu.memory_space<vmem>> -> memref<32xi32, #tpu.memory_space<vmem>>
          %dma_wait3A_89 = arith.constant 0 : i32
          %dma_wait3A_90 = arith.constant 0 : i32
          %dma_wait3A_91 = tpu.memref_slice %arg3[%dma_wait3A_89, %dma_wait3A_90] : memref<100000x64xf32, #tpu.memory_space<hbm>> -> memref<100000x64xf32, #tpu.memory_space<hbm>>
          tpu.wait_indirect_dma semaphore(%arg13 : memref<!tpu.dma_semaphore, #tpu.memory_space<semaphore_mem>>) src(%dma_wait3A_91 : memref<100000x64xf32, #tpu.memory_space<hbm>>) dst(%dma_wait3A_86 : memref<32x64xf32, #tpu.memory_space<vmem>>)
          %mul3A_92 = arith.constant 2 : i32
          %mul3A_93 = arith.muli %mul3A_92, %scan3A_79 : i32
          %add3A_94 = arith.constant 1 : i32
          %add3A_95 = arith.addi %mul3A_93, %add3A_94 : i32
          %dma_wait3A_96 = arith.constant 0 : i32
          %dma_wait3A_97 = arith.constant 0 : i32
          %dma_wait3A_98 = arith.constant 0 : i32
          %dma_wait3A_99 = tpu.memref_slice %arg8[%dma_wait3A_96, %dma_wait3A_97, %dma_wait3A_98] : memref<2x32x64xf32, #tpu.memory_space<vmem>> -> memref<1x32x64xf32, #tpu.memory_space<vmem>>
          %dma_wait3A_100 = tpu.memref_squeeze %dma_wait3A_99 : memref<1x32x64xf32, #tpu.memory_space<vmem>> -> memref<32x64xf32, #tpu.memory_space<vmem>>
          %dma_wait3A_101 = tpu.memref_slice %arg7[%add3A_95, %mul3A_72] : memref<100x512xi32, #tpu.memory_space<vmem>> -> memref<1x32xi32, #tpu.memory_space<vmem>>
          %dma_wait3A_102 = tpu.memref_squeeze %dma_wait3A_101 : memref<1x32xi32, #tpu.memory_space<vmem>> -> memref<32xi32, #tpu.memory_space<vmem>>
          %dma_wait3A_103 = arith.constant 0 : i32
          %dma_wait3A_104 = arith.constant 0 : i32
          %dma_wait3A_105 = tpu.memref_slice %arg3[%dma_wait3A_103, %dma_wait3A_104] : memref<100000x64xf32, #tpu.memory_space<hbm>> -> memref<100000x64xf32, #tpu.memory_space<hbm>>
          tpu.wait_indirect_dma semaphore(%arg14 : memref<!tpu.dma_semaphore, #tpu.memory_space<semaphore_mem>>) src(%dma_wait3A_105 : memref<100000x64xf32, #tpu.memory_space<hbm>>) dst(%dma_wait3A_100 : memref<32x64xf32, #tpu.memory_space<vmem>>)
        }
        %scan3A_78 = arith.constant 50 : i32
      } else {
      }
      %eq3A_43 = arith.constant 1 : i32
      %eq3A_44 = arith.cmpi eq, %rem3A_34, %eq3A_43 : i32
      %convert_element_type3A_45 = arith.extui %eq3A_44 : i1 to i32
      %cond3A_46 = arith.constant 0 : i32
      %cond3A_47 = arith.cmpi ne, %convert_element_type3A_45, %cond3A_46 : i32
      scf.if %cond3A_47 {
        %mul3A_71 = arith.constant 32 : i32
        %mul3A_72 = arith.muli %scan3A_33, %mul3A_71 : i32
        %scan3A_73 = arith.constant 0 : i32
        %scan3A_74 = arith.constant 0 : i32
        %scan3A_75 = arith.constant 50 : i32
        %scan3A_76 = arith.addi %scan3A_74, %scan3A_75 : i32
        %scan3A_77 = arith.constant 1 : i32
        scf.for %scan3A_79 = %scan3A_74 to %scan3A_76 step %scan3A_77  : i32 {
          %mul3A_80 = arith.constant 2 : i32
          %mul3A_81 = arith.muli %mul3A_80, %scan3A_79 : i32
          %dma_wait3A_82 = arith.constant 1 : i32
          %dma_wait3A_83 = arith.constant 0 : i32
          %dma_wait3A_84 = arith.constant 0 : i32
          %dma_wait3A_85 = tpu.memref_slice %arg8[%dma_wait3A_82, %dma_wait3A_83, %dma_wait3A_84] : memref<2x32x64xf32, #tpu.memory_space<vmem>> -> memref<1x32x64xf32, #tpu.memory_space<vmem>>
          %dma_wait3A_86 = tpu.memref_squeeze %dma_wait3A_85 : memref<1x32x64xf32, #tpu.memory_space<vmem>> -> memref<32x64xf32, #tpu.memory_space<vmem>>
          %dma_wait3A_87 = tpu.memref_slice %arg7[%mul3A_81, %mul3A_72] : memref<100x512xi32, #tpu.memory_space<vmem>> -> memref<1x32xi32, #tpu.memory_space<vmem>>
          %dma_wait3A_88 = tpu.memref_squeeze %dma_wait3A_87 : memref<1x32xi32, #tpu.memory_space<vmem>> -> memref<32xi32, #tpu.memory_space<vmem>>
          %dma_wait3A_89 = arith.constant 0 : i32
          %dma_wait3A_90 = arith.constant 0 : i32
          %dma_wait3A_91 = tpu.memref_slice %arg3[%dma_wait3A_89, %dma_wait3A_90] : memref<100000x64xf32, #tpu.memory_space<hbm>> -> memref<100000x64xf32, #tpu.memory_space<hbm>>
          tpu.wait_indirect_dma semaphore(%arg15 : memref<!tpu.dma_semaphore, #tpu.memory_space<semaphore_mem>>) src(%dma_wait3A_91 : memref<100000x64xf32, #tpu.memory_space<hbm>>) dst(%dma_wait3A_86 : memref<32x64xf32, #tpu.memory_space<vmem>>)
          %mul3A_92 = arith.constant 2 : i32
          %mul3A_93 = arith.muli %mul3A_92, %scan3A_79 : i32
          %add3A_94 = arith.constant 1 : i32
          %add3A_95 = arith.addi %mul3A_93, %add3A_94 : i32
          %dma_wait3A_96 = arith.constant 1 : i32
          %dma_wait3A_97 = arith.constant 0 : i32
          %dma_wait3A_98 = arith.constant 0 : i32
          %dma_wait3A_99 = tpu.memref_slice %arg8[%dma_wait3A_96, %dma_wait3A_97, %dma_wait3A_98] : memref<2x32x64xf32, #tpu.memory_space<vmem>> -> memref<1x32x64xf32, #tpu.memory_space<vmem>>
          %dma_wait3A_100 = tpu.memref_squeeze %dma_wait3A_99 : memref<1x32x64xf32, #tpu.memory_space<vmem>> -> memref<32x64xf32, #tpu.memory_space<vmem>>
          %dma_wait3A_101 = tpu.memref_slice %arg7[%add3A_95, %mul3A_72] : memref<100x512xi32, #tpu.memory_space<vmem>> -> memref<1x32xi32, #tpu.memory_space<vmem>>
          %dma_wait3A_102 = tpu.memref_squeeze %dma_wait3A_101 : memref<1x32xi32, #tpu.memory_space<vmem>> -> memref<32xi32, #tpu.memory_space<vmem>>
          %dma_wait3A_103 = arith.constant 0 : i32
          %dma_wait3A_104 = arith.constant 0 : i32
          %dma_wait3A_105 = tpu.memref_slice %arg3[%dma_wait3A_103, %dma_wait3A_104] : memref<100000x64xf32, #tpu.memory_space<hbm>> -> memref<100000x64xf32, #tpu.memory_space<hbm>>
          tpu.wait_indirect_dma semaphore(%arg16 : memref<!tpu.dma_semaphore, #tpu.memory_space<semaphore_mem>>) src(%dma_wait3A_105 : memref<100000x64xf32, #tpu.memory_space<hbm>>) dst(%dma_wait3A_100 : memref<32x64xf32, #tpu.memory_space<vmem>>)
        }
        %scan3A_78 = arith.constant 50 : i32
      } else {
      }
      %mul3A_48 = arith.constant 32 : i32
      %mul3A_49 = arith.muli %scan3A_33, %mul3A_48 : i32
      %add3A_50 = arith.addi %mul3A_2, %mul3A_49 : i32
      %scan3A_51 = arith.constant 0 : i32
      %scan3A_52 = arith.constant 0 : i32
      %scan3A_53 = arith.constant 32 : i32
      %scan3A_54 = arith.addi %scan3A_52, %scan3A_53 : i32
      %scan3A_55 = arith.constant 1 : i32
      scf.for %scan3A_71 = %scan3A_52 to %scan3A_54 step %scan3A_55  : i32 {
        %get3A = arith.index_cast %rem3A_34 : i32 to index
        %get3A_72 = arith.index_cast %scan3A_71 : i32 to index
        %get3A_73 = arith.constant 0 : index
        %get3A_74 = tpu.vector_load %arg8[%get3A, %get3A_72, %get3A_73] {strides = array<i32>} : memref<2x32x64xf32, #tpu.memory_space<vmem>>, vector<1x1x16xf32>,
        %get3A_75 = vector.shape_cast %get3A_74 : vector<1x1x16xf32> to vector<16xf32>
        %mul3A_76 = arith.constant 0.00999999977 : f32
        %mul3A_77 = vector.broadcast %mul3A_76 : f32 to vector<16xf32>
        %mul3A_78 = arith.mulf %get3A_75, %mul3A_77 : vector<16xf32>
        %get3A_79 = arith.index_cast %rem3A_34 : i32 to index
        %get3A_80 = arith.index_cast %scan3A_71 : i32 to index
        %get3A_81 = arith.constant 16 : index
        %get3A_82 = tpu.vector_load %arg8[%get3A_79, %get3A_80, %get3A_81] {strides = array<i32>} : memref<2x32x64xf32, #tpu.memory_space<vmem>>, vector<1x1x16xf32>,
        %get3A_83 = vector.shape_cast %get3A_82 : vector<1x1x16xf32> to vector<16xf32>
        %mul3A_84 = arith.constant 0.00999999977 : f32
        %mul3A_85 = vector.broadcast %mul3A_84 : f32 to vector<16xf32>
        %mul3A_86 = arith.mulf %get3A_83, %mul3A_85 : vector<16xf32>
        %get3A_87 = arith.index_cast %rem3A_34 : i32 to index
        %get3A_88 = arith.index_cast %scan3A_71 : i32 to index
        %get3A_89 = arith.constant 32 : index
        %get3A_90 = tpu.vector_load %arg8[%get3A_87, %get3A_88, %get3A_89] {strides = array<i32>} : memref<2x32x64xf32, #tpu.memory_space<vmem>>, vector<1x1x16xf32>,
        %get3A_91 = vector.shape_cast %get3A_90 : vector<1x1x16xf32> to vector<16xf32>
        %mul3A_92 = arith.constant 0.00999999977 : f32
        %mul3A_93 = vector.broadcast %mul3A_92 : f32 to vector<16xf32>
        %mul3A_94 = arith.mulf %get3A_91, %mul3A_93 : vector<16xf32>
        %get3A_95 = arith.index_cast %rem3A_34 : i32 to index
        %get3A_96 = arith.index_cast %scan3A_71 : i32 to index
        %get3A_97 = arith.constant 48 : index
        %get3A_98 = tpu.vector_load %arg8[%get3A_95, %get3A_96, %get3A_97] {strides = array<i32>} : memref<2x32x64xf32, #tpu.memory_space<vmem>>, vector<1x1x16xf32>,
        %get3A_99 = vector.shape_cast %get3A_98 : vector<1x1x16xf32> to vector<16xf32>
        %mul3A_100 = arith.constant 0.00999999977 : f32
        %mul3A_101 = vector.broadcast %mul3A_100 : f32 to vector<16xf32>
        %mul3A_102 = arith.mulf %get3A_99, %mul3A_101 : vector<16xf32>
        %add3A_103 = arith.addf %mul3A_78, %mul3A_86 : vector<16xf32>
        %add3A_104 = arith.addf %add3A_103, %mul3A_94 : vector<16xf32>
        %add3A_105 = arith.addf %add3A_104, %mul3A_102 : vector<16xf32>
        %iota3A = tpu.iota {dimensions = array<i32: 0>} : vector<16xi32>
        %xor3A = arith.constant 1 : i32
        %xor3A_106 = vector.broadcast %xor3A : i32 to vector<16xi32>
        %xor3A_107 = arith.xori %iota3A, %xor3A_106 : vector<16xi32>
        %reshape3A = vector.shape_cast %xor3A_107 : vector<16xi32> to vector<16x1xi32>
        %gather3A = vector.shape_cast %reshape3A : vector<16x1xi32> to vector<16xi32>
        %gather3A_108 = tpu.dynamic_gather %add3A_105[%gather3A] in [0] : vector<16xf32>, vector<16xi32> -> vector<16xf32>
        %add3A_109 = arith.addf %add3A_105, %gather3A_108 : vector<16xf32>
        %xor3A_110 = arith.constant 2 : i32
        %xor3A_111 = vector.broadcast %xor3A_110 : i32 to vector<16xi32>
        %xor3A_112 = arith.xori %iota3A, %xor3A_111 : vector<16xi32>
        %reshape3A_113 = vector.shape_cast %xor3A_112 : vector<16xi32> to vector<16x1xi32>
        %gather3A_114 = vector.shape_cast %reshape3A_113 : vector<16x1xi32> to vector<16xi32>
        %gather3A_115 = tpu.dynamic_gather %add3A_109[%gather3A_114] in [0] : vector<16xf32>, vector<16xi32> -> vector<16xf32>
        %add3A_116 = arith.addf %add3A_109, %gather3A_115 : vector<16xf32>
        %xor3A_117 = arith.constant 4 : i32
        %xor3A_118 = vector.broadcast %xor3A_117 : i32 to vector<16xi32>
        %xor3A_119 = arith.xori %iota3A, %xor3A_118 : vector<16xi32>
        %reshape3A_120 = vector.shape_cast %xor3A_119 : vector<16xi32> to vector<16x1xi32>
        %gather3A_121 = vector.shape_cast %reshape3A_120 : vector<16x1xi32> to vector<16xi32>
        %gather3A_122 = tpu.dynamic_gather %add3A_116[%gather3A_121] in [0] : vector<16xf32>, vector<16xi32> -> vector<16xf32>
        %add3A_123 = arith.addf %add3A_116, %gather3A_122 : vector<16xf32>
        %xor3A_124 = arith.constant 8 : i32
        %xor3A_125 = vector.broadcast %xor3A_124 : i32 to vector<16xi32>
        %xor3A_126 = arith.xori %iota3A, %xor3A_125 : vector<16xi32>
        %reshape3A_127 = vector.shape_cast %xor3A_126 : vector<16xi32> to vector<16x1xi32>
        %gather3A_128 = vector.shape_cast %reshape3A_127 : vector<16x1xi32> to vector<16xi32>
        %gather3A_129 = tpu.dynamic_gather %add3A_123[%gather3A_128] in [0] : vector<16xf32>, vector<16xi32> -> vector<16xf32>
        %add3A_130 = arith.addf %add3A_123, %gather3A_129 : vector<16xf32>
        %mul3A_131 = arith.constant 1.562500e-02 : f32
        %mul3A_132 = vector.broadcast %mul3A_131 : f32 to vector<16xf32>
        %mul3A_133 = arith.mulf %add3A_130, %mul3A_132 : vector<16xf32>
        %sub3A = arith.subf %mul3A_78, %mul3A_133 : vector<16xf32>
        %sub3A_134 = arith.subf %mul3A_86, %mul3A_133 : vector<16xf32>
        %sub3A_135 = arith.subf %mul3A_94, %mul3A_133 : vector<16xf32>
        %sub3A_136 = arith.subf %mul3A_102, %mul3A_133 : vector<16xf32>
        %mul3A_137 = arith.mulf %sub3A, %sub3A : vector<16xf32>
        %mul3A_138 = arith.mulf %sub3A_134, %sub3A_134 : vector<16xf32>
        %add3A_139 = arith.addf %mul3A_137, %mul3A_138 : vector<16xf32>
        %mul3A_140 = arith.mulf %sub3A_135, %sub3A_135 : vector<16xf32>
        %add3A_141 = arith.addf %add3A_139, %mul3A_140 : vector<16xf32>
        %mul3A_142 = arith.mulf %sub3A_136, %sub3A_136 : vector<16xf32>
        %add3A_143 = arith.addf %add3A_141, %mul3A_142 : vector<16xf32>
        %iota3A_144 = tpu.iota {dimensions = array<i32: 0>} : vector<16xi32>
        %xor3A_145 = arith.constant 1 : i32
        %xor3A_146 = vector.broadcast %xor3A_145 : i32 to vector<16xi32>
        %xor3A_147 = arith.xori %iota3A_144, %xor3A_146 : vector<16xi32>
        %reshape3A_148 = vector.shape_cast %xor3A_147 : vector<16xi32> to vector<16x1xi32>
        %gather3A_149 = vector.shape_cast %reshape3A_148 : vector<16x1xi32> to vector<16xi32>
        %gather3A_150 = tpu.dynamic_gather %add3A_143[%gather3A_149] in [0] : vector<16xf32>, vector<16xi32> -> vector<16xf32>
        %add3A_151 = arith.addf %add3A_143, %gather3A_150 : vector<16xf32>
        %xor3A_152 = arith.constant 2 : i32
        %xor3A_153 = vector.broadcast %xor3A_152 : i32 to vector<16xi32>
        %xor3A_154 = arith.xori %iota3A_144, %xor3A_153 : vector<16xi32>
        %reshape3A_155 = vector.shape_cast %xor3A_154 : vector<16xi32> to vector<16x1xi32>
        %gather3A_156 = vector.shape_cast %reshape3A_155 : vector<16x1xi32> to vector<16xi32>
        %gather3A_157 = tpu.dynamic_gather %add3A_151[%gather3A_156] in [0] : vector<16xf32>, vector<16xi32> -> vector<16xf32>
        %add3A_158 = arith.addf %add3A_151, %gather3A_157 : vector<16xf32>
        %xor3A_159 = arith.constant 4 : i32
        %xor3A_160 = vector.broadcast %xor3A_159 : i32 to vector<16xi32>
        %xor3A_161 = arith.xori %iota3A_144, %xor3A_160 : vector<16xi32>
        %reshape3A_162 = vector.shape_cast %xor3A_161 : vector<16xi32> to vector<16x1xi32>
        %gather3A_163 = vector.shape_cast %reshape3A_162 : vector<16x1xi32> to vector<16xi32>
        %gather3A_164 = tpu.dynamic_gather %add3A_158[%gather3A_163] in [0] : vector<16xf32>, vector<16xi32> -> vector<16xf32>
        %add3A_165 = arith.addf %add3A_158, %gather3A_164 : vector<16xf32>
        %xor3A_166 = arith.constant 8 : i32
        %xor3A_167 = vector.broadcast %xor3A_166 : i32 to vector<16xi32>
        %xor3A_168 = arith.xori %iota3A_144, %xor3A_167 : vector<16xi32>
        %reshape3A_169 = vector.shape_cast %xor3A_168 : vector<16xi32> to vector<16x1xi32>
        %gather3A_170 = vector.shape_cast %reshape3A_169 : vector<16x1xi32> to vector<16xi32>
        %gather3A_171 = tpu.dynamic_gather %add3A_165[%gather3A_170] in [0] : vector<16xf32>, vector<16xi32> -> vector<16xf32>
        %add3A_172 = arith.addf %add3A_165, %gather3A_171 : vector<16xf32>
        %mul3A_173 = arith.constant 1.562500e-02 : f32
        %mul3A_174 = vector.broadcast %mul3A_173 : f32 to vector<16xf32>
        %mul3A_175 = arith.mulf %add3A_172, %mul3A_174 : vector<16xf32>
        %add3A_176 = arith.constant 9.99999974E-6 : f32
        %add3A_177 = vector.broadcast %add3A_176 : f32 to vector<16xf32>
        %add3A_178 = arith.addf %mul3A_175, %add3A_177 : vector<16xf32>
        %bitcast_convert_type3A = tpu.bitcast %add3A_178 : vector<16xf32> -> vector<16xi32>
        %shift_right_logical3A = arith.constant 1 : i32
        %shift_right_logical3A_179 = vector.broadcast %shift_right_logical3A : i32 to vector<16xi32>
        %shift_right_logical3A_180 = arith.shrui %bitcast_convert_type3A, %shift_right_logical3A_179 : vector<16xi32>
        %sub3A_181 = arith.constant 1597463007 : i32
        %sub3A_182 = vector.broadcast %sub3A_181 : i32 to vector<16xi32>
        %sub3A_183 = arith.subi %sub3A_182, %shift_right_logical3A_180 : vector<16xi32>
        %bitcast_convert_type3A_184 = tpu.bitcast %sub3A_183 : vector<16xi32> -> vector<16xf32>
        %mul3A_185 = arith.constant 5.000000e-01 : f32
        %mul3A_186 = vector.broadcast %mul3A_185 : f32 to vector<16xf32>
        %mul3A_187 = arith.mulf %mul3A_186, %add3A_178 : vector<16xf32>
        %mul3A_188 = arith.mulf %mul3A_187, %bitcast_convert_type3A_184 : vector<16xf32>
        %mul3A_189 = arith.mulf %mul3A_188, %bitcast_convert_type3A_184 : vector<16xf32>
        %sub3A_190 = arith.constant 1.500000e+00 : f32
        %sub3A_191 = vector.broadcast %sub3A_190 : f32 to vector<16xf32>
        %sub3A_192 = arith.subf %sub3A_191, %mul3A_189 : vector<16xf32>
        %mul3A_193 = arith.mulf %bitcast_convert_type3A_184, %sub3A_192 : vector<16xf32>
        %mul3A_194 = arith.constant 5.000000e-01 : f32
        %mul3A_195 = vector.broadcast %mul3A_194 : f32 to vector<16xf32>
        %mul3A_196 = arith.mulf %mul3A_195, %add3A_178 : vector<16xf32>
        %mul3A_197 = arith.mulf %mul3A_196, %mul3A_193 : vector<16xf32>
        %mul3A_198 = arith.mulf %mul3A_197, %mul3A_193 : vector<16xf32>
        %sub3A_199 = arith.constant 1.500000e+00 : f32
        %sub3A_200 = vector.broadcast %sub3A_199 : f32 to vector<16xf32>
        %sub3A_201 = arith.subf %sub3A_200, %mul3A_198 : vector<16xf32>
        %mul3A_202 = arith.mulf %mul3A_193, %sub3A_201 : vector<16xf32>
        %mul3A_203 = arith.constant 5.000000e-01 : f32
        %mul3A_204 = vector.broadcast %mul3A_203 : f32 to vector<16xf32>
        %mul3A_205 = arith.mulf %mul3A_204, %add3A_178 : vector<16xf32>
        %mul3A_206 = arith.mulf %mul3A_205, %mul3A_202 : vector<16xf32>
        %mul3A_207 = arith.mulf %mul3A_206, %mul3A_202 : vector<16xf32>
        %sub3A_208 = arith.constant 1.500000e+00 : f32
        %sub3A_209 = vector.broadcast %sub3A_208 : f32 to vector<16xf32>
        %sub3A_210 = arith.subf %sub3A_209, %mul3A_207 : vector<16xf32>
        %mul3A_211 = arith.mulf %mul3A_202, %sub3A_210 : vector<16xf32>
        %mul3A_212 = arith.mulf %sub3A, %mul3A_211 : vector<16xf32>
        %get3A_213 = arith.constant 0 : index
        %get3A_214 = tpu.vector_load %arg10[%get3A_213] {strides = array<i32>} : memref<64xf32, #tpu.memory_space<vmem>>, vector<16xf32>,
        %get3A_215 = vector.shape_cast %get3A_214 : vector<16xf32> to vector<16xf32>
        %mul3A_216 = arith.mulf %mul3A_212, %get3A_215 : vector<16xf32>
        %get3A_217 = arith.constant 0 : index
        %get3A_218 = tpu.vector_load %arg11[%get3A_217] {strides = array<i32>} : memref<64xf32, #tpu.memory_space<vmem>>, vector<16xf32>,
        %get3A_219 = vector.shape_cast %get3A_218 : vector<16xf32> to vector<16xf32>
        %add3A_220 = arith.addf %mul3A_216, %get3A_219 : vector<16xf32>
        %swap3A = arith.index_cast %scan3A_71 : i32 to index
        %swap3A_221 = arith.constant 0 : index
        %swap3A_222 = tpu.vector_load %arg9[%swap3A, %swap3A_221] {strides = array<i32>} : memref<32x64xf32, #tpu.memory_space<vmem>>, vector<1x16xf32>,
        %swap3A_223 = vector.shape_cast %swap3A_222 : vector<1x16xf32> to vector<16xf32>
        %swap3A_224 = vector.shape_cast %add3A_220 : vector<16xf32> to vector<1x16xf32>
        tpu.vector_store %arg9[%swap3A, %swap3A_221], %swap3A_224 {strides = array<i32>} : memref<32x64xf32, #tpu.memory_space<vmem>>, vector<1x16xf32>,
        %mul3A_225 = arith.mulf %sub3A_134, %mul3A_211 : vector<16xf32>
        %get3A_226 = arith.constant 16 : index
        %get3A_227 = tpu.vector_load %arg10[%get3A_226] {strides = array<i32>} : memref<64xf32, #tpu.memory_space<vmem>>, vector<16xf32>,
        %get3A_228 = vector.shape_cast %get3A_227 : vector<16xf32> to vector<16xf32>
        %mul3A_229 = arith.mulf %mul3A_225, %get3A_228 : vector<16xf32>
        %get3A_230 = arith.constant 16 : index
        %get3A_231 = tpu.vector_load %arg11[%get3A_230] {strides = array<i32>} : memref<64xf32, #tpu.memory_space<vmem>>, vector<16xf32>,
        %get3A_232 = vector.shape_cast %get3A_231 : vector<16xf32> to vector<16xf32>
        %add3A_233 = arith.addf %mul3A_229, %get3A_232 : vector<16xf32>
        %swap3A_234 = arith.index_cast %scan3A_71 : i32 to index
        %swap3A_235 = arith.constant 16 : index
        %swap3A_236 = tpu.vector_load %arg9[%swap3A_234, %swap3A_235] {strides = array<i32>} : memref<32x64xf32, #tpu.memory_space<vmem>>, vector<1x16xf32>,
        %swap3A_237 = vector.shape_cast %swap3A_236 : vector<1x16xf32> to vector<16xf32>
        %swap3A_238 = vector.shape_cast %add3A_233 : vector<16xf32> to vector<1x16xf32>
        tpu.vector_store %arg9[%swap3A_234, %swap3A_235], %swap3A_238 {strides = array<i32>} : memref<32x64xf32, #tpu.memory_space<vmem>>, vector<1x16xf32>,
        %mul3A_239 = arith.mulf %sub3A_135, %mul3A_211 : vector<16xf32>
        %get3A_240 = arith.constant 32 : index
        %get3A_241 = tpu.vector_load %arg10[%get3A_240] {strides = array<i32>} : memref<64xf32, #tpu.memory_space<vmem>>, vector<16xf32>,
        %get3A_242 = vector.shape_cast %get3A_241 : vector<16xf32> to vector<16xf32>
        %mul3A_243 = arith.mulf %mul3A_239, %get3A_242 : vector<16xf32>
        %get3A_244 = arith.constant 32 : index
        %get3A_245 = tpu.vector_load %arg11[%get3A_244] {strides = array<i32>} : memref<64xf32, #tpu.memory_space<vmem>>, vector<16xf32>,
        %get3A_246 = vector.shape_cast %get3A_245 : vector<16xf32> to vector<16xf32>
        %add3A_247 = arith.addf %mul3A_243, %get3A_246 : vector<16xf32>
        %swap3A_248 = arith.index_cast %scan3A_71 : i32 to index
        %swap3A_249 = arith.constant 32 : index
        %swap3A_250 = tpu.vector_load %arg9[%swap3A_248, %swap3A_249] {strides = array<i32>} : memref<32x64xf32, #tpu.memory_space<vmem>>, vector<1x16xf32>,
        %swap3A_251 = vector.shape_cast %swap3A_250 : vector<1x16xf32> to vector<16xf32>
        %swap3A_252 = vector.shape_cast %add3A_247 : vector<16xf32> to vector<1x16xf32>
        tpu.vector_store %arg9[%swap3A_248, %swap3A_249], %swap3A_252 {strides = array<i32>} : memref<32x64xf32, #tpu.memory_space<vmem>>, vector<1x16xf32>,
        %mul3A_253 = arith.mulf %sub3A_136, %mul3A_211 : vector<16xf32>
        %get3A_254 = arith.constant 48 : index
        %get3A_255 = tpu.vector_load %arg10[%get3A_254] {strides = array<i32>} : memref<64xf32, #tpu.memory_space<vmem>>, vector<16xf32>,
        %get3A_256 = vector.shape_cast %get3A_255 : vector<16xf32> to vector<16xf32>
        %mul3A_257 = arith.mulf %mul3A_253, %get3A_256 : vector<16xf32>
        %get3A_258 = arith.constant 48 : index
        %get3A_259 = tpu.vector_load %arg11[%get3A_258] {strides = array<i32>} : memref<64xf32, #tpu.memory_space<vmem>>, vector<16xf32>,
        %get3A_260 = vector.shape_cast %get3A_259 : vector<16xf32> to vector<16xf32>
        %add3A_261 = arith.addf %mul3A_257, %get3A_260 : vector<16xf32>
        %swap3A_262 = arith.index_cast %scan3A_71 : i32 to index
        %swap3A_263 = arith.constant 48 : index
        %swap3A_264 = tpu.vector_load %arg9[%swap3A_262, %swap3A_263] {strides = array<i32>} : memref<32x64xf32, #tpu.memory_space<vmem>>, vector<1x16xf32>,
        %swap3A_265 = vector.shape_cast %swap3A_264 : vector<1x16xf32> to vector<16xf32>
        %swap3A_266 = vector.shape_cast %add3A_261 : vector<16xf32> to vector<1x16xf32>
        tpu.vector_store %arg9[%swap3A_262, %swap3A_263], %swap3A_266 {strides = array<i32>} : memref<32x64xf32, #tpu.memory_space<vmem>>, vector<1x16xf32>,
      }
      %scan3A_56 = arith.constant 32 : i32
      %dma_start3A_57 = arith.constant 0 : i32
      %dma_start3A_58 = tpu.memref_slice %arg6[%add3A_50, %dma_start3A_57] : memref<16384x64xf32, #tpu.memory_space<hbm>> -> memref<32x64xf32, #tpu.memory_space<hbm>>
      %dma_start3A_59 = arith.constant 0 : i32
      %dma_start3A_60 = tpu.memref_slice %arg6[%add3A_50, %dma_start3A_59] : memref<16384x64xf32, #tpu.memory_space<hbm>> -> memref<32x64xf32, #tpu.memory_space<hbm>>
      tpu.enqueue_dma source(%arg9 : memref<32x64xf32, #tpu.memory_space<vmem>>) target(%dma_start3A_60 : memref<32x64xf32, #tpu.memory_space<hbm>>) target_semaphore(%arg17 : memref<!tpu.dma_semaphore, #tpu.memory_space<semaphore_mem>>)
      %dma_wait3A_61 = arith.constant 0 : i32
      %dma_wait3A_62 = tpu.memref_slice %arg6[%add3A_50, %dma_wait3A_61] : memref<16384x64xf32, #tpu.memory_space<hbm>> -> memref<32x64xf32, #tpu.memory_space<hbm>>
      %dma_wait3A_63 = arith.constant 0 : i32
      %dma_wait3A_64 = tpu.memref_slice %arg6[%add3A_50, %dma_wait3A_63] : memref<16384x64xf32, #tpu.memory_space<hbm>> -> memref<32x64xf32, #tpu.memory_space<hbm>>
      tpu.wait_dma2 semaphore(%arg17 : memref<!tpu.dma_semaphore, #tpu.memory_space<semaphore_mem>>) src(%arg9 : memref<32x64xf32, #tpu.memory_space<vmem>>) dst(%dma_wait3A_64 : memref<32x64xf32, #tpu.memory_space<hbm>>)
      %scan3A_65 = arith.constant 0 : i32
      %scan3A_66 = arith.constant 0 : i32
      %scan3A_67 = arith.constant 32 : i32
      %scan3A_68 = arith.addi %scan3A_66, %scan3A_67 : i32
      %scan3A_69 = arith.constant 1 : i32
      scf.for %scan3A_71 = %scan3A_66 to %scan3A_68 step %scan3A_69  : i32 {
        %swap3A = arith.index_cast %rem3A_34 : i32 to index
        %swap3A_72 = arith.index_cast %scan3A_71 : i32 to index
        %swap3A_73 = arith.constant 0 : index
        %swap3A_74 = tpu.vector_load %arg8[%swap3A, %swap3A_72, %swap3A_73] {strides = array<i32>} : memref<2x32x64xf32, #tpu.memory_space<vmem>>, vector<1x1x16xf32>,
        %swap3A_75 = vector.shape_cast %swap3A_74 : vector<1x1x16xf32> to vector<16xf32>
        %swap3A_76 = vector.shape_cast %broadcast_in_dim3A_9 : vector<16xf32> to vector<1x1x16xf32>
        tpu.vector_store %arg8[%swap3A, %swap3A_72, %swap3A_73], %swap3A_76 {strides = array<i32>} : memref<2x32x64xf32, #tpu.memory_space<vmem>>, vector<1x1x16xf32>,
        %swap3A_77 = arith.index_cast %rem3A_34 : i32 to index
        %swap3A_78 = arith.index_cast %scan3A_71 : i32 to index
        %swap3A_79 = arith.constant 16 : index
        %swap3A_80 = tpu.vector_load %arg8[%swap3A_77, %swap3A_78, %swap3A_79] {strides = array<i32>} : memref<2x32x64xf32, #tpu.memory_space<vmem>>, vector<1x1x16xf32>,
        %swap3A_81 = vector.shape_cast %swap3A_80 : vector<1x1x16xf32> to vector<16xf32>
        %swap3A_82 = vector.shape_cast %broadcast_in_dim3A_9 : vector<16xf32> to vector<1x1x16xf32>
        tpu.vector_store %arg8[%swap3A_77, %swap3A_78, %swap3A_79], %swap3A_82 {strides = array<i32>} : memref<2x32x64xf32, #tpu.memory_space<vmem>>, vector<1x1x16xf32>,
        %swap3A_83 = arith.index_cast %rem3A_34 : i32 to index
        %swap3A_84 = arith.index_cast %scan3A_71 : i32 to index
        %swap3A_85 = arith.constant 32 : index
        %swap3A_86 = tpu.vector_load %arg8[%swap3A_83, %swap3A_84, %swap3A_85] {strides = array<i32>} : memref<2x32x64xf32, #tpu.memory_space<vmem>>, vector<1x1x16xf32>,
        %swap3A_87 = vector.shape_cast %swap3A_86 : vector<1x1x16xf32> to vector<16xf32>
        %swap3A_88 = vector.shape_cast %broadcast_in_dim3A_9 : vector<16xf32> to vector<1x1x16xf32>
        tpu.vector_store %arg8[%swap3A_83, %swap3A_84, %swap3A_85], %swap3A_88 {strides = array<i32>} : memref<2x32x64xf32, #tpu.memory_space<vmem>>, vector<1x1x16xf32>,
        %swap3A_89 = arith.index_cast %rem3A_34 : i32 to index
        %swap3A_90 = arith.index_cast %scan3A_71 : i32 to index
        %swap3A_91 = arith.constant 48 : index
        %swap3A_92 = tpu.vector_load %arg8[%swap3A_89, %swap3A_90, %swap3A_91] {strides = array<i32>} : memref<2x32x64xf32, #tpu.memory_space<vmem>>, vector<1x1x16xf32>,
        %swap3A_93 = vector.shape_cast %swap3A_92 : vector<1x1x16xf32> to vector<16xf32>
        %swap3A_94 = vector.shape_cast %broadcast_in_dim3A_9 : vector<16xf32> to vector<1x1x16xf32>
        tpu.vector_store %arg8[%swap3A_89, %swap3A_90, %swap3A_91], %swap3A_94 {strides = array<i32>} : memref<2x32x64xf32, #tpu.memory_space<vmem>>, vector<1x1x16xf32>,
      }
      %scan3A_70 = arith.constant 32 : i32
    }
    %scan3A_32 = arith.constant 16 : i32
    return
  }
}

</mosaic_0001>

<sc_bundles>
// kernel: kernel.3.cloned.1.call-start
scs
__scs_entry_jumppad:
0x0: {  	(pc) =	sbr.rel $0x88, $3  }
0x1: {  	(tag) =	ssettag $0x0;
	lr =	simm.s32 $0x1  }
0x2: {  	[smem:$0x3F9D] =	sst lr;
	_ =	strace $0xD0000000  }
0x3: {  	_ = 	snop  }
0x4: {  	_ = 	snop  }
0x5: {  	_ = 	snop  }
0x6: {  	_ = 	snop  }
0x7: {  	_ = 	snop  }
__scs_overlays_trampoline_lowered:
0x8: {  	[smem:$0x3FAC] =	sst s0  }
0x9: {  	[smem:$0x3FAD] =	sst s1  }
0xa: {  	[smem:$0x3FAE] =	sst s2  }
0xb: {  	[smem:$0x3FAF] =	sst s3  }
0xc: {  	[smem:$0x3FB0] =	sst s4  }
0xd: {  	[smem:$0x3FB1] =	sst s5  }
0xe: {  	[smem:$0x3FB2] =	sst s6  }
0xf: {  	[smem:$0x3FB3] =	sst s7  }
0x10: {  	[smem:$0x3FB4] =	sst s8  }
0x11: {  	[smem:$0x3FB5] =	sst s9;
	s0 =	simm.s32 @!p0 $0x0  }
0x12: {  	s1 =	sld [smem:$0x3F9B];
	s0 =	simm.s32 @p0 $0x1  }
0x13: {  	[smem:$0x3FB6] =	sst s0;
	s0 =	simm.s32 @!p1 $0x0  }
0x14: {  	s2 =	sld [smem:$0x3F9A];
	s0 =	simm.s32 @p1 $0x1  }
0x15: {  	[smem:$0x3FB7] =	sst s0;
	s0 =	simm.s32 @!p2 $0x0  }
0x16: {  	s3 =	sld [smem:$0x3FDB];
	s0 =	simm.s32 @p2 $0x1  }
0x17: {  	s4 =	simm.s32 $0x1BF5;
	[smem:$0x3FB9] =	sst s0  }
0x18: {  	s0 =	sld [smem:$0x3F9C];
	_ =	swait.ge [sflag:s4], $0x0  }
0x19: {  	s7 =	sld [smem:$0x3F9D]  }
0x1a: {  	s8 =	sadd.s32 $0xFFFFE003, lr  }
0x1b: {  	s9 =	sadd.s32 $0xFFFFFEF7, lr;
	s5 =	simm.s32 $0xFFFFFFFF;
	p2 =	slt.u32 s8, $0xFFFFF086  }
0x1c: {  	p1 =	slt.u32 s9, $0xF7A;
	s5 =	simm.s32 @!p2 $0x0  }
0x1d: {  	s5 =	simm.s32 @p1 $0x1;
	p0 =	seq.s32 s7, s2  }
0x1e: {  	s7 =	smul.u32 @!p0 $0xF7A, s2;
	p2 =	seq.s32 @!p0 s5, $0x0  }
0x1f: {  	s9 =	smul.u32 $0xF7A, s1;
	s8 =	simm.s32 @!p0 $0x1BF5;
	p2 =	por !p2, p0  }
0x20: {  	[sflag:s8] =	ssyncset.s32 @!p0 $0xFFFFF086;
	s6 =	sadd.s32 @!p0 s3, s7;
	s7 =	simm.s32 @!p0 $0x108  }
0x21: {  	s3 =	sadd.s32 s3, s9;
	s6 =	sadd.s32 @!p0 $0x88, s6;
	s7 =	simm.s32 @p2 $0x1082  }
0x22: {  	[simem:s7], [sflag:s8] =	dma.local @!p0 [hbm:s6], $0xF7A  }
0x23: {  	s9 =	sor.u32 $0xD0000000, s2;
	s6 =	simm.s32 $0x108;
	_ =	swait.ge @!p0 [sflag:s8], $0x0  }
0x24: {  	s3 =	sadd.s32 $0x88, s3;
	s6 =	simm.s32 @!p1 $0x1082;
	[sflag:s4] =	ssyncset.s32 $0xFFFFF086  }
0x25: {  	[simem:s6], [sflag:s4] =	dma.local [hbm:s3], $0xF7A  }
0x26: {  	[smem:$0x3F9D] =	sst s1;
	(tag) =	ssettag s2;
	_ =	strace s9  }
0x27: {  	s1 =	sld [smem:$0x3FAD]  }
0x28: {  	s2 =	sld [smem:$0x3FAE]  }
0x29: {  	s4 =	sld [smem:$0x3FB0]  }
0x2a: {  	p0 =	seq.s32 s5, $0x0;
	s5 =	sld [smem:$0x3FB1]  }
0x2b: {  	s6 =	sld [smem:$0x3FB2]  }
0x2c: {  	s7 =	sld [smem:$0x3FB3]  }
0x2d: {  	s3 =	simm.s32 $0x108;
	s8 =	sld [smem:$0x3FB4]  }
0x2e: {  	s3 =	simm.s32 @!p0 $0x1082;
	s9 =	sld [smem:$0x3FB5]  }
0x2f: {  	lr =	sadd.s32 s0, s3;
	s0 =	sld [smem:$0x3FAC]  }
0x30: {  	s3 =	sld [smem:$0x3FAF]  }
0x31: {  	[smem:$0x3FB8] =	sst s10  }
0x32: {  	s10 =	sld [smem:$0x3FB6];
	_ =	sdelay $0x3  }
0x33: {  	p0 =	seq.s32 s10, $0x1;
	s10 =	sld [smem:$0x3FB8];
	_ =	sdelay $0x3  }
0x34: {  	[smem:$0x3FB8] =	sst s10  }
0x35: {  	s10 =	sld [smem:$0x3FB7];
	_ =	sdelay $0x3  }
0x36: {  	p1 =	seq.s32 s10, $0x1;
	s10 =	sld [smem:$0x3FB8];
	_ =	sdelay $0x3  }
0x37: {  	[smem:$0x3FB8] =	sst s10  }
0x38: {  	s10 =	sld [smem:$0x3FB9]  }
0x39: {  	_ = 	snop;
	(pc) =	sbr.ind lr, $3  }
0x3a: {  	_ = 	snop  }
0x3b: {  	_ = 	snop  }
0x3c: {  	p2 =	seq.s32 s10, $0x1;
	s10 =	sld [smem:$0x3FB8]  }
0x3d: {  	_ =	shalt  }
0x3e: {  	_ =	shalt  }
0x3f: {  	_ =	shalt  }
0x40: {  	_ =	shalt  }
0x41: {  	_ =	shalt  }
0x42: {  	_ =	shalt  }
0x43: {  	_ =	shalt  }
0x44: {  	_ =	shalt  }
0x45: {  	_ =	shalt  }
0x46: {  	_ =	shalt  }
0x47: {  	_ =	shalt  }
0x48: {  	_ =	shalt  }
0x49: {  	_ =	shalt  }
0x4a: {  	_ =	shalt  }
0x4b: {  	_ =	shalt  }
0x4c: {  	_ =	shalt  }
0x4d: {  	_ =	shalt  }
0x4e: {  	_ =	shalt  }
0x4f: {  	_ =	shalt  }
0x50: {  	_ =	shalt  }
0x51: {  	_ =	shalt  }
0x52: {  	_ =	shalt  }
0x53: {  	_ =	shalt  }
0x54: {  	_ =	shalt  }
0x55: {  	_ =	shalt  }
0x56: {  	_ =	shalt  }
0x57: {  	_ =	shalt  }
0x58: {  	_ =	shalt  }
0x59: {  	_ =	shalt  }
0x5a: {  	_ =	shalt  }
0x5b: {  	_ =	shalt  }
0x5c: {  	_ =	shalt  }
0x5d: {  	_ =	shalt  }
0x5e: {  	_ =	shalt  }
0x5f: {  	_ =	shalt  }
0x60: {  	_ =	shalt  }
0x61: {  	_ =	shalt  }
0x62: {  	_ =	shalt  }
0x63: {  	_ =	shalt  }
0x64: {  	_ =	shalt  }
0x65: {  	_ =	shalt  }
0x66: {  	_ =	shalt  }
0x67: {  	_ =	shalt  }
0x68: {  	_ =	shalt  }
0x69: {  	_ =	shalt  }
0x6a: {  	_ =	shalt  }
0x6b: {  	_ =	shalt  }
0x6c: {  	_ =	shalt  }
0x6d: {  	_ =	shalt  }
0x6e: {  	_ =	shalt  }
0x6f: {  	_ =	shalt  }
0x70: {  	_ =	shalt  }
0x71: {  	_ =	shalt  }
0x72: {  	_ =	shalt  }
0x73: {  	_ =	shalt  }
0x74: {  	_ =	shalt  }
0x75: {  	_ =	shalt  }
0x76: {  	_ =	shalt  }
0x77: {  	_ =	shalt  }
0x78: {  	_ =	shalt  }
0x79: {  	_ =	shalt  }
0x7a: {  	_ =	shalt  }
0x7b: {  	_ =	shalt  }
0x7c: {  	_ =	shalt  }
0x7d: {  	_ =	shalt  }
0x7e: {  	_ =	shalt  }
0x7f: {  	_ =	shalt  }
0x80: {  	_ =	shalt  }
0x81: {  	_ =	shalt  }
0x82: {  	_ =	shalt  }
0x83: {  	_ =	shalt  }
0x84: {  	_ =	shalt  }
0x85: {  	_ =	shalt  }
0x86: {  	_ =	shalt  }
0x87: {  	_ =	shalt  }
.Lfunc_end0:
.L_simem_size_0:
called_computation_lowered:
.L_overlay_start_0:
0x88: {  	s2 =	sld [smem:$0x3FD9]  }
0x89: {  	s3 =	sld [smem:$0x3FFE];
	_ =	sdelay $0x1  }
0x8a: {  	s1 =	srdreg.scid  }
0x8b: {  	s0 =	sand.u32 $0x1, s1  }
0x8c: {  	s17 =	sshll.u32 s0, $0xA;
	s2 =	sadd.s32 s3, s2  }
0x8d: {  	s2 =	sadd.s32 s2, s17  }
0x8e: {  	[smem:$0x3FC4] =	sst s2  }
0x8f: {  	_ = 	snop  }
0x90: {  	s2 =	sld [smem:$0x3FC7]  }
0x91: {  	s18 =	sld [smem:$0x3FC6]  }
0x92: {  	s4 =	sld [smem:$0x3FD0];
	(tm) =	ssettm $0x1  }
0x93: {  	s5 =	sld [smem:$0x3FFB];
	_ =	sdelay $0x3  }
0x94: {  	_ =	strace s5  }
0x95: {  	s5 =	sld [smem:$0x3FFC];
	_ =	sdelay $0x3  }
0x96: {  	_ =	strace s5  }
0x97: {  	s5 =	sld [smem:$0x3FFD];
	_ =	sdelay $0x3  }
0x98: {  	_ =	strace s5  }
0x99: {  	_ =	strace $0x8FFFFFFF  }
0x9a: {  	s19 =	sld [smem:$0x3FDB];
	_ =	sdelay $0x1  }
0x9b: {  	s6 =	simm.s32 $_scs_section_size  }
0x9c: {  	s7 =	simm.s32 $_size__tile_overlayer_lowered;
	s8 =	simm.s32 $_tile_overlayer_lowered  }
0x9d: {  	s22 =	simm.s32 $0x1BFF;
	s21 =	sshll.u32 s8, $0x1;
	s5 =	sadd.s32 s6, s19  }
0x9e: {  	s9 =	simm.s32 $0x0;
	s20 =	sshll.u32 s7, $0x1;
	s7 =	sadd.s32 s21, s5  }
0x9f: {  	[timem:s9], [sflag:s22] =	dma.local [hbm:s7], s20  }
0xa0: {  	_ =	swait.ge [sflag:s22], s20  }
0xa1: {  	s6 =	ssub.s32 $0x0, s20;
	[sflag:s22] =	ssyncset.done $0x0  }
0xa2: {  	[sflag:s22] =	ssyncadd.s32 s6;
	_ =	sdelay $0x1  }
0xa3: {  	s23 =	simm.s32 $0x1B8B  }
0xa4: {  	_ =	swait.ge [sflag:s23], $0x1  }
0xa5: {  	[sflag:s23] =	ssyncset.done $0x0  }
0xa6: {  	s25 =	simm.s32 $0x1B8E;
	s24 =	sld [smem:$0x3FFE];
	[sflag:s23] =	ssyncadd.s32 $0xFFFFFFFF  }
0xa7: {  	s26 =	simm.s32 $execute0_lowered;
	[smem:$0x3FD2] =	sst s25  }
0xa8: {  	s7 =	sshll.u32 s26, $0x1;
	_ =	strace $0x80000046;
	[dreg:$0x1] =	wrdreg $0xFFFFFFFF  }
0xa9: {  	s28 =	simm.s32 $_size_execute0_lowered;
	s5 =	sadd.s32 s5, s7;
	[dreg:$0x0] =	wrdreg $0x0  }
0xaa: {  	s7 =	sshll.u32 s28, $0x1;
	[dreg:$0x2] =	wrdreg s5  }
0xab: {  	[dreg:$0x3] =	wrdreg s7  }
0xac: {  	[dreg:$0x4] =	wrdreg $0xC0  }
0xad: {  	_ =	task [dreg:s9], $0x5FFFF  }
0xae: {  	[dreg:$0x1] =	wrdreg $0xFFFFFFFF  }
0xaf: {  	[dreg:$0x0] =	wrdreg $0x60  }
0xb0: {  	[dreg:$0x2] =	wrdreg s24  }
0xb1: {  	[dreg:$0x3] =	wrdreg s2  }
0xb2: {  	[dreg:$0x4] =	wrdreg s18  }
0xb3: {  	[dreg:$0x5] =	wrdreg s4  }
0xb4: {  	[dreg:$0x6] =	wrdreg $0x9  }
0xb5: {  	_ =	task.clear_ibuf [dreg:s9], $0x7FFFF;
	_ =	strace $0x90000046  }
0xb6: {  	s29 =	simm.s32 $0x9;
	_ =	strace $0x80000048  }
0xb7: {  	_ =	swait.ge [sflag:s29], $0x1  }
0xb8: {  	[sflag:s29] =	ssyncadd.s32 $0xFFFFFFFF  }
0xb9: {  	_ =	strace $0x90000048  }
0xba: {  	_ =	sfence  }
0xbb: {  	s30 =	sld [smem:$0x0];
	_ =	sdelay $0x2  }
0xbc: {  	s31 =	sshll.u32 s1, $0xD;
	s1 =	sshrl.u32 s1, $0x2  }
0xbd: {  	s3 =	sand.u32 $0x4000, s31;
	s1 =	sadd.s32 s1, s30  }
0xbe: {  	s0 =	sor.u32 s3, s0;
	s1 =	sshll.u32 s1, $0x11  }
0xbf: {  	s0 =	sor.u32 s1, s0  }
0xc0: {  	s0 =	sadd.s32 $0x8F2B, s0  }
0xc1: {  	[sflag:s0] =	ssyncadd.remote.s32 $0x1  }
0xc2: {  	_ =	sfence.sel $0xFFFF  }
0xc3: {  	[dreg:$0x0] =	wrdreg $0xFFFFFFFF;
	(pc) =	sbr.abs _section_cstart, $3  }
0xc4: {  	[dreg:$0x1] =	wrdreg $0xFFFFFFFF  }
0xc5: {  	_ =	task.clear_ibuf [dreg:s9], $0x2FFFF;
	_ =	strace $0x9FFFFFFF  }
0xc6: {  	(tm) =	ssettm $0x7FFFFFFF  }
0xc7: {  	_ =	shalt  }
tec
execute0_lowered:
.L_overlay_start_1:
0x0: {  	(tag) =	ssettag $0x1  }
0x1: {  	s5 =	rddreg [dreg:$0x0]  }
0x2: {  	s1 =	rddreg [dreg:$0x1]  }
0x3: {  	s2 =	rddreg [dreg:$0x2]  }
0x4: {  	s7 =	rddreg [dreg:$0x3];
	s4 =	srdreg.scid;
	v0 =	vimm.s32 $0xEFCDAB89  }
0x5: {  	s0 =	rddreg [dreg:$0x4];
	s3 =	stileid.u32;
	v1 =	vimm.s32 $0x67452301;
	v2 =	vimm.s32 $0xDCFE98BA;
	v3 =	vimm.s32 $0x54761032  }
0x6: {  	v4 =	vimm.s32 $0xBA98FEDC;
	s11 =	simm.s32 $0xE040;
	s12 =	simm.s32 $0x200;
	s13 =	simm.s32 $0x4000  }
0x7: {  	v5 =	vimm.s32 $0x32107654;
	v6 =	vimm.s32 $0xFEDCBA98;
	s14 =	simm.s32 $0x1;
	s15 =	simm.s32 $0x20;
	s16 =	simm.s32 $0xC800  }
0x8: {  	v7 =	vimm.s32 $0x76543210;
	s17 =	simm.s32 $0x4;
	s18 =	simm.s32 $0x5;
	s19 =	simm.s32 $0xD800;
	v0 =	vunpack.c.l.s4.s8 v0;
	v1 =	vunpack.c.l.s4.s8 v1  }
0x9: {  	s20 =	simm.s32 $0x6;
	s21 =	simm.s32 $0xD000;
	s22 =	simm.s32 $0x2;
	v2 =	vunpack.c.l.s4.s8 v2;
	v3 =	vunpack.c.l.s4.s8 v3;
	v4 =	vunpack.c.l.s4.s8 v4  }
0xa: {  	s23 =	simm.s32 $0x3;
	s24 =	simm.s32 $0x0;
	s6 =	sand.u32 $0x1, s4;
	v5 =	vunpack.c.l.s4.s8 v5;
	v6 =	vunpack.c.l.s4.s8 v6;
	v7 =	vunpack.c.l.s4.s8 v7  }
0xb: {  	s4 =	simm.s32 $0x0;
	s8 =	sshll.u32 s3, $0xA;
	s9 =	sshll.u32 s6, $0x9;
	v0 =	vunpack.c.0.s8.s32 v0;
	v1 =	vunpack.c.0.s8.s32 v1;
	v2 =	vunpack.c.0.s8.s32 v2  }
0xc: {  	[smem:$0x7FF] =	sst s4;
	s6 =	ssub.s32 $0x2, s6;
	s8 =	sor.u32 s9, s8;
	v3 =	vunpack.c.0.s8.s32 v3;
	v4 =	vunpack.c.0.s8.s32 v4;
	v5 =	vunpack.c.0.s8.s32 v5  }
0xd: {  	_ =	strace $0x80000047;
	s10 =	sshrl.u32 s6, $0x1;
	v6 =	vunpack.c.0.s8.s32 v6;
	s9 =	sshrl.u32 s8, $0x3;
	v1 =	vcombine.low v1, v0  }
0xe: {  	s10 =	ssub.s32 s6, s10;
	s8 =	sshll.u32 s8, $0x3;
	s9 =	sadd.s32 s9, s5;
	v2 =	vcombine.low v3, v2;
	v3 =	vcombine.low v5, v4;
	v4 =	vunpack.c.0.s8.s32 v7  }
0xf: {  	s5 =	sadd.s32 $0x187000, s5;
	s7 =	sadd.s32 s7, s8;
	s8 =	smax.u32 s10, $0x1;
	v0 =	vimm.f32 $0.0e+00;
	v5 =	vand.u32 $0xF, v6;
	v1 =	vand.u32 $0xF, v1  }
0x10: {  	s10 =	simm.s32 $0x7;
	s6 =	sadd.s32 $0x600, s9;
	s9 =	simm.s32 $0xE000;
	v2 =	vand.u32 $0xF, v2;
	v3 =	vand.u32 $0xF, v3;
	v4 =	vcombine.low v5, v4  }
.LBB2_1:
0x11: {  	[tilespmem:s9], [sflag:$0x7] =	stream.linear.gather [hbm4b:s1+s4], $0x40, $0x38;
	[tilespmem:$0xE080] =	vst v63  }
0x12: {  	_ =	swait.ge [sflag:s10], $0x40  }
0x13: {  	[sflag:s10] =	ssyncset.done $0x0  }
0x14: {  	[sflag:s10] =	ssyncadd.s32 $0xFFFFFFC0  }
0x15: {  	[tilespmem:s11], [sflag:$0x7] =	stream.linear.gather [hbm4b:s2+s4], $0x40, $0x38;
	[tilespmem:$0xE080] =	vst v63  }
0x16: {  	_ =	swait.ge [sflag:s10], $0x40  }
0x17: {  	[sflag:s10] =	ssyncset.done $0x0  }
0x18: {  	[sflag:s10] =	ssyncadd.s32 $0xFFFFFFC0  }
0x19: {  	[tilespmem:s4], [sflag:$0x1] =	stream.strided.gather [hbm4b:s6+s12], $0xC800, s13, s12, $0x38;
	[tilespmem:$0xE080] =	vst v63  }
0x1a: {  	_ =	swait.ge [sflag:s14], $0xC800  }
0x1b: {  	[sflag:s14] =	ssyncset.done $0x0  }
0x1c: {  	s26 =	simm.s32 $0x100;
	s25 =	simm.s32 $0x0;
	[sflag:s14] =	ssyncadd.s32 $0xFFFF3800  }
.LBB2_2:
0x1d: {  	p0 =	sne.s32 s26, $0x1F00;
	[tilespmem:s25+$0xC830] =	vst v0;
	s28 =	smov.u32 s26;
	s26 =	sadd.s32 $0x100, s26  }
.Ltmp0:
0x1e: {  	[tilespmem:s25+$0xC820] =	vst v0;
	(pc) =	sbr.rel @p0 .LBB2_2-.Ltmp0, $3  }
0x1f: {  	[tilespmem:s25+$0xC800] =	vst v0  }
0x20: {  	[tilespmem:s25+$0xC810] =	vst v0;
	_ =	sdelay $0x1  }
0x21: {  	s25 =	sshra.s32 s28, $0x2  }
0x22: {  	[tilespmem:s25+$0xC830] =	vst v0  }
0x23: {  	[tilespmem:s25+$0xC820] =	vst v0  }
0x24: {  	[tilespmem:s25+$0xC800] =	vst v0  }
0x25: {  	[tilespmem:s25+$0xC810] =	vst v0;
	s26 =	simm.s32 $0x100;
	s25 =	simm.s32 $0x0  }
.LBB2_4:
0x26: {  	p0 =	sne.s32 s26, $0x1F00;
	[tilespmem:s25+$0xD030] =	vst v0;
	s28 =	smov.u32 s26;
	s26 =	sadd.s32 $0x100, s26  }
.Ltmp1:
0x27: {  	[tilespmem:s25+$0xD020] =	vst v0;
	(pc) =	sbr.rel @p0 .LBB2_4-.Ltmp1, $3  }
0x28: {  	[tilespmem:s25+$0xD000] =	vst v0  }
0x29: {  	[tilespmem:s25+$0xD010] =	vst v0;
	_ =	sdelay $0x1  }
0x2a: {  	s25 =	sshra.s32 s28, $0x2  }
0x2b: {  	p0 =	por $0x0, $0x0  }
.Ltmp2:
0x2c: {  	[tilespmem:s25+$0xD030] =	vst v0;
	(pc) =	sbr.rel @p0 .LBB2_7-.Ltmp2, $4  }
0x2d: {  	[tilespmem:s25+$0xD020] =	vst v0  }
0x2e: {  	[tilespmem:s25+$0xD000] =	vst v0  }
0x2f: {  	[tilespmem:s25+$0xD010] =	vst v0;
	s31 =	simm.s32 $0x0;
	s25 =	simm.s32 $0x1000;
	s26 =	simm.s32 $0x200  }
0x30: {  	[tilespmem:s16], [sflag:$0x2] =	stream.indirect.gather.add.f32 [hbm:s5], $0x40, s31, s15, $0xb8;
	[tilespmem:$0xE080] =	vst v63  }
.LBB2_6:
0x31: {  	[tilespmem:s16], [sflag:$0x3] =	stream.indirect.gather.add.f32 [hbm:s5], $0x40, s26, s15, $0xb8;
	[tilespmem:$0xE080] =	vst v63  }
0x32: {  	s26 =	smov.u32 s25;
	p0 =	seq.s32 s25, $0x31000  }
.Ltmp3:
0x33: {  	s25 =	sadd.s32 $0x1000, s25;
	(pc) =	sbr.rel @!p0 .LBB2_6-.Ltmp3, $4  }
0x34: {  	_ = 	snop  }
0x35: {  	s26 =	sshra.s32 s26, $0x2  }
0x36: {  	[tilespmem:s16], [sflag:$0x2] =	stream.indirect.gather.add.f32 [hbm:s5], $0x40, s26, s15, $0xb8;
	[tilespmem:$0xE080] =	vst v63  }
0x37: {  	s26 =	sadd.s32 $0x200, s26  }
.LBB2_7:
0x38: {  	[tilespmem:s16], [sflag:$0x3] =	stream.indirect.gather.add.f32 [hbm:s5], $0x40, s26, s15, $0xb8;
	[tilespmem:$0xE080] =	vst v63  }
0x39: {  	s28 =	simm.s32 $0x0;
	p0 =	por $0x0, $0x0;
	s25 =	simm.s32 $0x0  }
.LBB2_9:
0x3a: {  	p1 =	seq.s32 s28, $0xF  }
.Ltmp4:
0x3b: {  	_ = 	snop;
	(pc) =	sbr.rel @p1 .LBB2_21-.Ltmp4, $2  }
0x3c: {  	_ =	sdelay $0x2  }
0x3d: {  	s26 =	sadd.s32 $0x1, s28  }
0x3e: {  	s29 =	sand.u32 $0x1, s26  }
0x3f: {  	p1 =	seq.s32 s29, $0x1  }
.Ltmp5:
0x40: {  	_ = 	snop;
	(pc) =	sbr.rel @!p1 .LBB2_11-.Ltmp5, $4  }
0x41: {  	s29 =	simm.s32 $0xFFFCE000  }
0x42: {  	s30 =	sshra.s32 s29, $0x2  }
0x43: {  	s30 =	sadd.s32 s30, s25  }
0x44: {  	s31 =	sadd.s32 $0xC820, s30  }
0x45: {  	[tilespmem:s21], [sflag:$0x4] =	stream.indirect.gather.add.f32 [hbm:s5], $0x40, s31, s15, $0xb8;
	[tilespmem:$0xE080] =	vst v63  }
0x46: {  	s29 =	sadd.s32 $0x1000, s29;
	s30 =	sadd.s32 $0xCA20, s30  }
.LBB2_15:
0x47: {  	[tilespmem:s21], [sflag:$0x5] =	stream.indirect.gather.add.f32 [hbm:s5], $0x40, s30, s15, $0xb8;
	[tilespmem:$0xE080] =	vst v63  }
0x48: {  	p1 =	sne.s32 s29, $0xFFFFF000  }
.Ltmp6:
0x49: {  	s30 =	sshra.s32 s29, $0x2;
	(pc) =	sbr.rel @p1 .LBB2_15-.Ltmp6, $4  }
0x4a: {  	s29 =	sadd.s32 $0x1000, s29;
	s30 =	sadd.s32 s30, s25  }
0x4b: {  	s31 =	sadd.s32 $0xC820, s30  }
0x4c: {  	[tilespmem:s21], [sflag:$0x4] =	stream.indirect.gather.add.f32 [hbm:s5], $0x40, s31, s15, $0xb8;
	[tilespmem:$0xE080] =	vst v63  }
0x4d: {  	s30 =	sadd.s32 $0xCA20, s30  }
.Ltmp7:
0x4e: {  	(pc) =	sbr.rel .LBB2_17-.Ltmp7, $2  }
0x4f: {  	_ =	sdelay $0x2  }
0x50: {  	[tilespmem:s21], [sflag:$0x5] =	stream.indirect.gather.add.f32 [hbm:s5], $0x40, s30, s15, $0xb8;
	[tilespmem:$0xE080] =	vst v63  }
.LBB2_11:
0x51: {  	[tilespmem:s16], [sflag:$0x2] =	stream.indirect.gather.add.f32 [hbm:s5], $0x40, s31, s15, $0xb8;
	[tilespmem:$0xE080] =	vst v63  }
0x52: {  	s29 =	sadd.s32 $0x1000, s29;
	s30 =	sadd.s32 $0xCA20, s30  }
.LBB2_12:
0x53: {  	[tilespmem:s16], [sflag:$0x3] =	stream.indirect.gather.add.f32 [hbm:s5], $0x40, s30, s15, $0xb8;
	[tilespmem:$0xE080] =	vst v63  }
0x54: {  	p1 =	seq.s32 s29, $0xFFFFF000  }
.Ltmp8:
0x55: {  	s30 =	sshra.s32 s29, $0x2;
	(pc) =	sbr.rel @!p1 .LBB2_12-.Ltmp8, $4  }
0x56: {  	s29 =	sadd.s32 $0x1000, s29;
	s30 =	sadd.s32 s30, s25  }
0x57: {  	s31 =	sadd.s32 $0xC820, s30  }
0x58: {  	[tilespmem:s16], [sflag:$0x2] =	stream.indirect.gather.add.f32 [hbm:s5], $0x40, s31, s15, $0xb8;
	[tilespmem:$0xE080] =	vst v63  }
0x59: {  	s30 =	sadd.s32 $0xCA20, s30  }
0x5a: {  	[tilespmem:s16], [sflag:$0x3] =	stream.indirect.gather.add.f32 [hbm:s5], $0x40, s30, s15, $0xb8;
	[tilespmem:$0xE080] =	vst v63  }
.LBB2_17:
0x5b: {  	s29 =	sand.u32 $0x1, s28  }
0x5c: {  	p1 =	seq.s32 s29, $0x0  }
.Ltmp9:
0x5d: {  	_ = 	snop;
	(pc) =	sbr.rel @p1 .LBB2_18-.Ltmp9, $2  }
0x5e: {  	_ =	sdelay $0x2  }
0x5f: {  	s29 =	simm.s32 $0x32  }
.LBB2_21:
0x60: {  	_ =	swait.ge [sflag:s17], $0x800  }
0x61: {  	[sflag:s17] =	ssyncset.done $0x0  }
0x62: {  	[sflag:s17] =	ssyncadd.s32 $0xFFFFF800  }
0x63: {  	_ =	swait.ge [sflag:s18], $0x800  }
0x64: {  	s29 =	simm.s32 $0x31;
	[sflag:s18] =	ssyncset.done $0x0  }
.LBB2_22:
0x65: {  	p1 =	sne.s32 s29, $0x1;
	s29 =	sadd.s32 $0xFFFFFFFF, s29;
	[sflag:s18] =	ssyncadd.s32 $0xFFFFF800  }
.Ltmp10:
0x66: {  	_ =	swait.ge [sflag:s17], $0x800;
	(pc) =	sbr.rel @p1 .LBB2_22-.Ltmp10, $4  }
0x67: {  	[sflag:s17] =	ssyncset.done $0x0  }
0x68: {  	[sflag:s17] =	ssyncadd.s32 $0xFFFFF800  }
0x69: {  	_ =	swait.ge [sflag:s18], $0x800  }
0x6a: {  	[sflag:s18] =	ssyncset.done $0x0  }
.Ltmp11:
0x6b: {  	(pc) =	sbr.rel .LBB2_24-.Ltmp11, $2  }
0x6c: {  	_ =	sdelay $0x2  }
0x6d: {  	[sflag:s18] =	ssyncadd.s32 $0xFFFFF800  }
.LBB2_18:
0x6e: {  	_ =	swait.ge [sflag:s22], $0x800  }
0x6f: {  	[sflag:s22] =	ssyncset.done $0x0  }
0x70: {  	[sflag:s22] =	ssyncadd.s32 $0xFFFFF800  }
0x71: {  	_ =	swait.ge [sflag:s23], $0x800  }
0x72: {  	s29 =	sadd.s32 $0xFFFFFFFF, s29;
	[sflag:s23] =	ssyncset.done $0x0  }
.LBB2_19:
0x73: {  	p1 =	seq.s32 s29, $0x1;
	s29 =	sadd.s32 $0xFFFFFFFF, s29;
	[sflag:s23] =	ssyncadd.s32 $0xFFFFF800  }
.Ltmp12:
0x74: {  	_ =	swait.ge [sflag:s22], $0x800;
	(pc) =	sbr.rel @!p1 .LBB2_19-.Ltmp12, $4  }
0x75: {  	[sflag:s22] =	ssyncset.done $0x0  }
0x76: {  	[sflag:s22] =	ssyncadd.s32 $0xFFFFF800  }
0x77: {  	_ =	swait.ge [sflag:s23], $0x800  }
0x78: {  	[sflag:s23] =	ssyncset.done $0x0  }
0x79: {  	[sflag:s23] =	ssyncadd.s32 $0xFFFFF800  }
.LBB2_24:
0x7a: {  	s29 =	simm.s32 $0x1  }
0x7b: {  	s29 =	simm.s32 @!p0 $0x0  }
0x7c: {  	s29 =	sshll.u32 s29, $0xB  }
0x7d: {  	s29 =	sadd.s32 $0xC820, s29  }
0x7e: {  	v5 =	vmov s29;
	_ =	sdelay $0x3  }
0x7f: {  	s29 =	simm.s32 $0x0  }
0x80: {  	v6 =	vld.idx.msk [tilespmem:v5+s29+$0xFFFFFFE0 ss:$0x1], $0xffff  }
0x81: {  	v7 =	vld.idx.msk [tilespmem:v5+s29+$0xFFFFFFF0 ss:$0x1], $0xffff;
	_ =	sdelay $0x1  }
0x82: {  	v8 =	vld.idx.msk [tilespmem:v5+s29+$0x0 ss:$0x1], $0xffff;
	_ =	sdelay $0x1  }
0x83: {  	v9 =	vld.idx.msk [tilespmem:v5+s29+$0x10 ss:$0x1], $0xffff  }
0x84: {  	v6 =	vmul.f32 $9.999999770e-03, v6;
	v7 =	vmul.f32 $9.999999770e-03, v7;
	_ =	sdelay $0x1  }
0x85: {  	v8 =	vmul.f32 $9.999999770e-03, v8;
	v10 =	vadd.f32 v7, v6;
	_ =	sdelay $0x1  }
0x86: {  	v9 =	vmul.f32 $9.999999770e-03, v9;
	v10 =	vadd.f32 v8, v10;
	_ =	sdelay $0x1  }
0x87: {  	v10 =	vadd.f32 v9, v10;
	_ =	sdelay $0x1  }
0x88: {  	v11 =	vperm.xlane v10, v1;
	_ =	sdelay $0x1  }
0x89: {  	v10 =	vadd.f32 v10, v11;
	_ =	sdelay $0x1  }
0x8a: {  	v11 =	vperm.xlane v10, v2;
	_ =	sdelay $0x1  }
0x8b: {  	v10 =	vadd.f32 v10, v11;
	_ =	sdelay $0x1  }
0x8c: {  	v11 =	vperm.xlane v10, v3;
	_ =	sdelay $0x1  }
0x8d: {  	v10 =	vadd.f32 v10, v11;
	_ =	sdelay $0x1  }
0x8e: {  	v11 =	vperm.xlane v10, v4;
	_ =	sdelay $0x1  }
0x8f: {  	v10 =	vadd.f32 v10, v11;
	_ =	sdelay $0x1  }
0x90: {  	v10 =	vmul.f32 $1.562500000e-02, v10;
	_ =	sdelay $0x1  }
0x91: {  	v6 =	vsub.f32 v6, v10;
	v7 =	vsub.f32 v7, v10;
	_ =	sdelay $0x1  }
0x92: {  	v8 =	vsub.f32 v8, v10;
	v55 =	vmul.f32 v6, v6;
	v12 =	vmul.f32 v7, v7;
	_ =	sdelay $0x1  }
0x93: {  	v9 =	vsub.f32 v9, v10;
	v56 =	vmul.f32 v8, v8;
	v11 =	vadd.f32 v12, v55;
	_ =	sdelay $0x1  }
0x94: {  	v57 =	vmul.f32 v9, v9;
	v10 =	vadd.f32 v11, v56;
	_ =	sdelay $0x1  }
0x95: {  	v10 =	vadd.f32 v10, v57;
	_ =	sdelay $0x1  }
0x96: {  	v58 =	vperm.xlane v10, v1;
	_ =	sdelay $0x1  }
0x97: {  	v10 =	vadd.f32 v10, v58;
	_ =	sdelay $0x1  }
0x98: {  	v11 =	vperm.xlane v10, v2;
	_ =	sdelay $0x1  }
0x99: {  	v10 =	vadd.f32 v10, v11;
	_ =	sdelay $0x1  }
0x9a: {  	v11 =	vperm.xlane v10, v3;
	_ =	sdelay $0x1  }
0x9b: {  	v10 =	vadd.f32 v10, v11;
	_ =	sdelay $0x1  }
0x9c: {  	v11 =	vperm.xlane v10, v4;
	_ =	sdelay $0x1  }
0x9d: {  	v10 =	vadd.f32 v10, v11;
	_ =	sdelay $0x1  }
0x9e: {  	v10 =	vmul.f32 $1.562500000e-02, v10;
	_ =	sdelay $0x1  }
0x9f: {  	v10 =	vadd.f32 $9.999999740e-06, v10;
	_ =	sdelay $0x1  }
0xa0: {  	v59 =	vshrl.u32 v10, $0x1;
	v10 =	vmul.f32 $5.000000000e-01, v10  }
0xa1: {  	v11 =	vsub.s32 $0x5F3759DF, v59  }
0xa2: {  	v60 =	vmul.f32 v11, v10;
	_ =	sdelay $0x1  }
0xa3: {  	v12 =	vmul.f32 v11, v60;
	_ =	sdelay $0x1  }
0xa4: {  	v12 =	vsub.f32 $1.500000000e+00, v12;
	_ =	sdelay $0x1  }
0xa5: {  	v11 =	vmul.f32 v11, v12;
	_ =	sdelay $0x1  }
0xa6: {  	v12 =	vmul.f32 v11, v10;
	_ =	sdelay $0x1  }
0xa7: {  	v12 =	vmul.f32 v12, v11;
	_ =	sdelay $0x1  }
0xa8: {  	v12 =	vsub.f32 $1.500000000e+00, v12;
	_ =	sdelay $0x1  }
0xa9: {  	v11 =	vmul.f32 v12, v11;
	_ =	sdelay $0x1  }
0xaa: {  	v10 =	vmul.f32 v11, v10;
	_ =	sdelay $0x1  }
0xab: {  	v10 =	vmul.f32 v10, v11;
	_ =	sdelay $0x1  }
0xac: {  	v10 =	vsub.f32 $1.500000000e+00, v10  }
0xad: {  	v61 =	vld [tilespmem:$0xE000]  }
0xae: {  	v10 =	vmul.f32 v10, v11  }
0xaf: {  	v62 =	vld [tilespmem:$0xE040]  }
0xb0: {  	v6 =	vmul.f32 v10, v6;
	_ =	sdelay $0x1  }
0xb1: {  	v6 =	vmul.f32 v6, v61;
	_ =	sdelay $0x1  }
0xb2: {  	v6 =	vadd.f32 v6, v62;
	_ =	sdelay $0x1  }
0xb3: {  	[tilespmem:s29+$0xD800] =	vst v6  }
0xb4: {  	v6 =	vld [tilespmem:$0xE010];
	_ =	sdelay $0x1  }
0xb5: {  	v63 =	vld [tilespmem:$0xE050]  }
0xb6: {  	v7 =	vmul.f32 v10, v7;
	_ =	sdelay $0x1  }
0xb7: {  	v6 =	vmul.f32 v7, v6;
	_ =	sdelay $0x1  }
0xb8: {  	v6 =	vadd.f32 v6, v63;
	_ =	sdelay $0x1  }
0xb9: {  	[tilespmem:s29+$0xD810] =	vst v6  }
0xba: {  	v6 =	vld [tilespmem:$0xE020];
	_ =	sdelay $0x1  }
0xbb: {  	v7 =	vld [tilespmem:$0xE060]  }
0xbc: {  	v8 =	vmul.f32 v10, v8;
	_ =	sdelay $0x1  }
0xbd: {  	v6 =	vmul.f32 v8, v6;
	_ =	sdelay $0x1  }
0xbe: {  	v6 =	vadd.f32 v6, v7;
	_ =	sdelay $0x1  }
0xbf: {  	[tilespmem:s29+$0xD820] =	vst v6  }
0xc0: {  	v6 =	vld [tilespmem:$0xE030];
	_ =	sdelay $0x1  }
0xc1: {  	v7 =	vld [tilespmem:$0xE070]  }
0xc2: {  	v8 =	vmul.f32 v10, v9;
	_ =	sdelay $0x1  }
0xc3: {  	v6 =	vmul.f32 v8, v6;
	_ =	sdelay $0x1  }
0xc4: {  	s30 =	simm.s32 $0x100;
	v6 =	vadd.f32 v6, v7  }
.LBB2_25:
0xc5: {  	p1 =	sne.s32 s30, $0x1F00;
	s31 =	smov.u32 s30;
	s30 =	sadd.s32 $0x100, s30  }
0xc6: {  	[tilespmem:s29+$0xD830] =	vst v6;
	s29 =	sshra.s32 s31, $0x2  }
0xc7: {  	v6 =	vld.idx.msk [tilespmem:v5+s29+$0xFFFFFFE0 ss:$0x1], $0xffff  }
0xc8: {  	v7 =	vld.idx.msk [tilespmem:v5+s29+$0xFFFFFFF0 ss:$0x1], $0xffff  }
0xc9: {  	v8 =	vld.idx.msk [tilespmem:v5+s29+$0x0 ss:$0x1], $0xffff;
	_ =	sdelay $0x1  }
0xca: {  	v9 =	vld.idx.msk [tilespmem:v5+s29+$0x10 ss:$0x1], $0xffff;
	_ =	sdelay $0x1  }
0xcb: {  	v6 =	vmul.f32 $9.999999770e-03, v6  }
0xcc: {  	v7 =	vmul.f32 $9.999999770e-03, v7  }
0xcd: {  	v8 =	vmul.f32 $9.999999770e-03, v8  }
0xce: {  	v10 =	vadd.f32 v7, v6  }
0xcf: {  	v9 =	vmul.f32 $9.999999770e-03, v9  }
0xd0: {  	v10 =	vadd.f32 v8, v10;
	_ =	sdelay $0x1  }
0xd1: {  	v10 =	vadd.f32 v9, v10;
	_ =	sdelay $0x1  }
0xd2: {  	v11 =	vperm.xlane v10, v1;
	_ =	sdelay $0x1  }
0xd3: {  	v10 =	vadd.f32 v10, v11;
	_ =	sdelay $0x1  }
0xd4: {  	v11 =	vperm.xlane v10, v2;
	_ =	sdelay $0x1  }
0xd5: {  	v10 =	vadd.f32 v10, v11;
	_ =	sdelay $0x1  }
0xd6: {  	v11 =	vperm.xlane v10, v3;
	_ =	sdelay $0x1  }
0xd7: {  	v10 =	vadd.f32 v10, v11;
	_ =	sdelay $0x1  }
0xd8: {  	v11 =	vperm.xlane v10, v4;
	_ =	sdelay $0x1  }
0xd9: {  	v10 =	vadd.f32 v10, v11;
	_ =	sdelay $0x1  }
0xda: {  	v10 =	vmul.f32 $1.562500000e-02, v10;
	_ =	sdelay $0x1  }
0xdb: {  	v6 =	vsub.f32 v6, v10;
	v7 =	vsub.f32 v7, v10  }
0xdc: {  	v8 =	vsub.f32 v8, v10;
	v9 =	vsub.f32 v9, v10  }
0xdd: {  	v10 =	vmul.f32 v6, v6;
	v11 =	vmul.f32 v7, v7  }
0xde: {  	v12 =	vmul.f32 v8, v8  }
0xdf: {  	v10 =	vadd.f32 v11, v10  }
0xe0: {  	v11 =	vmul.f32 v9, v9  }
0xe1: {  	v10 =	vadd.f32 v10, v12;
	_ =	sdelay $0x1  }
0xe2: {  	v10 =	vadd.f32 v10, v11;
	_ =	sdelay $0x1  }
0xe3: {  	v11 =	vperm.xlane v10, v1;
	_ =	sdelay $0x1  }
0xe4: {  	v10 =	vadd.f32 v10, v11;
	_ =	sdelay $0x1  }
0xe5: {  	v11 =	vperm.xlane v10, v2;
	_ =	sdelay $0x1  }
0xe6: {  	v10 =	vadd.f32 v10, v11;
	_ =	sdelay $0x1  }
0xe7: {  	v11 =	vperm.xlane v10, v3;
	_ =	sdelay $0x1  }
0xe8: {  	v10 =	vadd.f32 v10, v11;
	_ =	sdelay $0x1  }
0xe9: {  	v11 =	vperm.xlane v10, v4;
	_ =	sdelay $0x1  }
0xea: {  	v10 =	vadd.f32 v10, v11;
	_ =	sdelay $0x1  }
0xeb: {  	v10 =	vmul.f32 $1.562500000e-02, v10;
	_ =	sdelay $0x1  }
0xec: {  	v10 =	vadd.f32 $9.999999740e-06, v10;
	_ =	sdelay $0x1  }
0xed: {  	v11 =	vshrl.u32 v10, $0x1;
	v10 =	vmul.f32 $5.000000000e-01, v10  }
0xee: {  	v11 =	vsub.s32 $0x5F3759DF, v11  }
0xef: {  	v12 =	vmul.f32 v11, v10;
	_ =	sdelay $0x1  }
0xf0: {  	v12 =	vmul.f32 v11, v12;
	_ =	sdelay $0x1  }
0xf1: {  	v12 =	vsub.f32 $1.500000000e+00, v12;
	_ =	sdelay $0x1  }
0xf2: {  	v11 =	vmul.f32 v11, v12;
	_ =	sdelay $0x1  }
0xf3: {  	v12 =	vmul.f32 v11, v10;
	_ =	sdelay $0x1  }
0xf4: {  	v12 =	vmul.f32 v12, v11;
	_ =	sdelay $0x1  }
0xf5: {  	v12 =	vsub.f32 $1.500000000e+00, v12;
	_ =	sdelay $0x1  }
0xf6: {  	v11 =	vmul.f32 v12, v11;
	_ =	sdelay $0x1  }
0xf7: {  	v10 =	vmul.f32 v11, v10;
	_ =	sdelay $0x1  }
0xf8: {  	v10 =	vmul.f32 v10, v11;
	_ =	sdelay $0x1  }
0xf9: {  	v10 =	vsub.f32 $1.500000000e+00, v10;
	v12 =	vld [tilespmem:$0xE000];
	_ =	sdelay $0x1  }
0xfa: {  	v10 =	vmul.f32 v10, v11;
	v11 =	vld [tilespmem:$0xE040];
	_ =	sdelay $0x1  }
0xfb: {  	v6 =	vmul.f32 v10, v6;
	v7 =	vmul.f32 v10, v7  }
0xfc: {  	v8 =	vmul.f32 v10, v8;
	v9 =	vmul.f32 v10, v9  }
0xfd: {  	v6 =	vmul.f32 v6, v12;
	_ =	sdelay $0x1  }
0xfe: {  	v6 =	vadd.f32 v6, v11;
	_ =	sdelay $0x1  }
0xff: {  	[tilespmem:s29+$0xD800] =	vst v6  }
0x100: {  	v6 =	vld [tilespmem:$0xE010]  }
0x101: {  	v10 =	vld [tilespmem:$0xE050];
	_ =	sdelay $0x3  }
0x102: {  	v6 =	vmul.f32 v7, v6;
	_ =	sdelay $0x1  }
0x103: {  	v6 =	vadd.f32 v6, v10;
	_ =	sdelay $0x1  }
0x104: {  	[tilespmem:s29+$0xD810] =	vst v6  }
0x105: {  	v6 =	vld [tilespmem:$0xE020]  }
0x106: {  	v7 =	vld [tilespmem:$0xE060];
	_ =	sdelay $0x3  }
0x107: {  	v6 =	vmul.f32 v8, v6;
	_ =	sdelay $0x1  }
0x108: {  	v6 =	vadd.f32 v6, v7;
	_ =	sdelay $0x1  }
0x109: {  	[tilespmem:s29+$0xD820] =	vst v6  }
0x10a: {  	v6 =	vld [tilespmem:$0xE030]  }
0x10b: {  	v7 =	vld [tilespmem:$0xE070];
	_ =	sdelay $0x1  }
.Ltmp13:
0x10c: {  	(pc) =	sbr.rel @p1 .LBB2_25-.Ltmp13, $3  }
0x10d: {  	_ = 	snop  }
0x10e: {  	v6 =	vmul.f32 v9, v6;
	_ =	sdelay $0x1  }
0x10f: {  	v6 =	vadd.f32 v6, v7  }
0x110: {  	s28 =	sshll.u32 s28, $0x8  }
0x111: {  	[tilespmem:s29+$0xD830] =	vst v6;
	s28 =	sadd.s32 s28, s7;
	s29 =	simm.s32 $0x0  }
0x112: {  	[hbm4b:s28+s29] =	stream.linear.scatter [tilespmem:s19], [sflag:$0x6], $0x800, $0x38;
	[tilespmem:$0xE080] =	vst v63  }
0x113: {  	_ =	swait.ge [sflag:s20], $0x800  }
0x114: {  	[sflag:s20] =	ssyncset.done $0x0  }
0x115: {  	s28 =	simm.s32 $0x0;
	[sflag:s20] =	ssyncadd.s32 $0xFFFFF800  }
0x116: {  	[tilespmem:v5+s28+$0xFFFFFFE0 ss:$0x1] =	vst.idx.msk $0xffff, v0  }
0x117: {  	[tilespmem:v5+s28+$0xFFFFFFF0 ss:$0x1] =	vst.idx.msk $0xffff, v0  }
0x118: {  	s29 =	simm.s32 $0x100;
	[tilespmem:v5+s28+$0x0 ss:$0x1] =	vst.idx.msk $0xffff, v0  }
.LBB2_27:
0x119: {  	[tilespmem:v5+s28+$0x10 ss:$0x1] =	vst.idx.msk $0xffff, v0;
	s28 =	sshra.s32 s29, $0x2;
	p1 =	seq.s32 s29, $0x1F00  }
.Ltmp14:
0x11a: {  	[tilespmem:v5+s28+$0xFFFFFFE0 ss:$0x1] =	vst.idx.msk $0xffff, v0;
	(pc) =	sbr.rel @!p1 .LBB2_27-.Ltmp14, $3  }
0x11b: {  	_ =	sdelay $0x1  }
0x11c: {  	[tilespmem:v5+s28+$0xFFFFFFF0 ss:$0x1] =	vst.idx.msk $0xffff, v0  }
0x11d: {  	s29 =	sadd.s32 $0x100, s29;
	[tilespmem:v5+s28+$0x0 ss:$0x1] =	vst.idx.msk $0xffff, v0  }
0x11e: {  	_ =	sdelay $0x3  }
0x11f: {  	[tilespmem:v5+s28+$0x10 ss:$0x1] =	vst.idx.msk $0xffff, v0  }
0x120: {  	p1 =	seq.s32 s26, $0x10  }
.Ltmp15:
0x121: {  	_ = 	snop;
	(pc) =	sbr.rel @!p1 .LBB2_9-.Ltmp15, $2  }
0x122: {  	_ =	sdelay $0x2  }
0x123: {  	s25 =	sadd.s32 $0x20, s25;
	p0 =	por !p0, !p0;
	s28 =	smov.u32 s26  }
0x124: {  	s24 =	sadd.s32 $0x1, s24  }
0x125: {  	p0 =	sne.s32 s24, s8  }
.Ltmp16:
0x126: {  	_ = 	snop;
	(pc) =	sbr.rel @p0 .LBB2_1-.Ltmp16, $1  }
0x127: {  	_ =	sdelay $0x3  }
0x128: {  	_ =	sfence.sel $0x180000  }
0x129: {  	[bflag:$0x0] =	sbarrier.arrive $0xFFFF  }
0x12a: {  	p0 =	sne.s32 s3, $0x0;
	_ =	strace $0x90000047  }
0x12b: {  	s0 =	sadd.s32 @!p0 $0x100000, s0;
	[bflag:$0x2] =	sbarrier.arrive $0xFFFF  }
0x12c: {  	[sflag:s0] =	ssyncadd.tile.s32 @!p0 $0x1;
	_ =	shalt  }
.Lfunc_end2:
_tile_overlayer_lowered:
.L_overlay_start_2:
0x12d: {  	(tag) =	ssettag $0x2  }
0x12e: {  	s0 =	rddreg [dreg:$0x0];
	s2 =	stileid.u32  }
0x12f: {  	s1 =	rddreg [dreg:$0x1];
	p0 =	sne.s32 s2, $0x0  }
0x130: {  	s3 =	rddreg [dreg:$0x2];
	[bflag:$0x3] =	sbarrier.arrive $0xFFFF;
	s2 =	simm.s32 @!p0 $0x1C07  }
0x131: {  	[timem:s3], [sflag:s2] =	dma.local @!p0 [hbm:s0], s1  }
0x132: {  	s0 =	simm.s32 @!p0 $0x7  }
0x133: {  	_ =	swait.ge @!p0 [sflag:s0], s1  }
0x134: {  	s1 =	ssub.s32 @!p0 $0x0, s1;
	[sflag:s0] =	ssyncset.done @!p0 $0x0  }
0x135: {  	[sflag:s0] =	ssyncadd.s32 @!p0 s1  }
0x136: {  	[bflag:$0x3] =	sbarrier.arrive $0xFFFF  }
0x137: {  	_ =	shalt  }

</sc_bundles>
